<compile_context>
chip_gen: v7x
topology: tpu7x:2x2x1
jax: 0.10.2.dev20260603
libtpu: 0.0.44.dev20260713+nightly
codegen_flags: <defaults>
</compile_context>

<pallas_src>
import functools

import jax
import jax.numpy as jnp
from jax import lax
from jax.experimental import pallas as pl
from jax.experimental.pallas import tpu as pltpu
from jax.experimental.pallas import tpu_sc as plsc

B, T, D = 4096, 200, 64
NW = 32
TG = T // 8
SKEW = 65


def _body(x4_hbm, tab_hbm, pos_hbm, out_hbm, idx_v, pos_v, bufg0, bufg1,
          bufs0, bufs1, bufo0, bufo1, gsem0, gsem1, wsem0, wsem1):
    wid = lax.axis_index("s") * 2 + lax.axis_index("c")

    pltpu.sync_copy(x4_hbm.at[wid], idx_v)
    pltpu.sync_copy(pos_hbm, pos_v)

    base65 = lax.iota(jnp.int32, 16) * SKEW

    def gather(t, buf, sem):
        return pltpu.make_async_copy(
            tab_hbm.at[idx_v.at[lax.shift_right_logical(t, 3),
                                lax.bitwise_and(t, 7)]],
            buf, sem)

    def step(t, carry):
        p = lax.rem(t, 2)

        def run(bufg, obufg, bufs, bufo, gsem, ogsem, wsem):
            @pl.when(t + 1 < T)
            def _():
                gather(t + 1, obufg, ogsem).start()

            gather(t, bufg, gsem).wait()

            posr = [pos_v[t, pl.ds(16 * c, 16)] for c in range(4)]

            @plsc.parallel_loop(0, 128, unroll=8)
            def _(tok):
                for c in range(4):
                    bufs[pl.ds(tok * SKEW + 16 * c, 16)] = (
                        bufg[tok, pl.ds(16 * c, 16)] + posr[c])

            @pl.when(t >= 2)
            def _():
                for dg in range(8):
                    pltpu.make_async_copy(
                        bufo.at[pl.ds(dg * 1024, 1024)],
                        out_hbm.at[t - 2, dg, wid], wsem).wait()

            @plsc.parallel_loop(0, 8 * D, unroll=16)
            def _(i):
                tg = lax.shift_right_logical(i, 6)
                d = lax.bitwise_and(i, 63)
                v = plsc.load_gather(bufs, [base65 + (tg * (16 * SKEW) + d)])
                bufo[pl.ds(d * 128 + tg * 16, 16)] = v

            for dg in range(8):
                pltpu.async_copy(bufo.at[pl.ds(dg * 1024, 1024)],
                                 out_hbm.at[t, dg, wid], wsem)

        @pl.when(p == 0)
        def _():
            run(bufg0, bufg1, bufs0, bufo0, gsem0, gsem1, wsem0)

        @pl.when(p == 1)
        def _():
            run(bufg1, bufg0, bufs1, bufo1, gsem1, gsem0, wsem1)

        return carry

    gather(0, bufg0, gsem0).start()
    lax.fori_loop(0, T, step, 0)

    for t, (bufo, wsem) in ((T - 2, (bufo0, wsem0)), (T - 1, (bufo1, wsem1))):
        for dg in range(8):
            pltpu.make_async_copy(bufo.at[pl.ds(dg * 1024, 1024)],
                                  out_hbm.at[t, dg, wid], wsem).wait()


@jax.jit
def kernel(x, token_table, pos_table):
    x4 = x.T.reshape(TG, 8, NW, 128).transpose(2, 0, 1, 3)

    mesh = plsc.VectorSubcoreMesh(core_axis_name="c", subcore_axis_name="s")
    k = functools.partial(
        pl.kernel,
        out_type=jax.ShapeDtypeStruct((T, 8, NW, 1024), jnp.float32),
        mesh=mesh,
        scratch_types=[
            pltpu.VMEM((TG, 8, 128), jnp.int32),
            pltpu.VMEM((T, D), jnp.float32),
            pltpu.VMEM((128, D), jnp.float32),
            pltpu.VMEM((128, D), jnp.float32),
            pltpu.VMEM((128 * SKEW,), jnp.float32),
            pltpu.VMEM((128 * SKEW,), jnp.float32),
            pltpu.VMEM((D * 128,), jnp.float32),
            pltpu.VMEM((D * 128,), jnp.float32),
            pltpu.SemaphoreType.DMA,
            pltpu.SemaphoreType.DMA,
            pltpu.SemaphoreType.DMA,
            pltpu.SemaphoreType.DMA,
        ],
        compiler_params=pltpu.CompilerParams(
            use_tc_tiling_on_sc=False, needs_layout_passes=False),
    )(_body)
    out6 = k(x4, token_table, pos_table)
    return (out6.reshape(T, 8, NW, 8, 128)
            .transpose(2, 4, 0, 1, 3).reshape(B, T, D))

# --- scband reference (transcript-rebuilt; emitter-appended) ---
"""Pipeline reference for scband-structure-information-88880053223698 (READ-ONLY COPY).

The authoritative reference and input builder live on the scoring server;
editing this copy changes nothing except your own understanding.
"""

import jax, jax.numpy as jnp
import numpy as np

VOCAB = 1000000
MAX_SEQ_LEN = 200
BRAIN = 64
B, T = 4096, 200

def setup_inputs(seed: int = 0) -> dict:
    key = jax.random.key(seed)
    k1, k2, k3 = jax.random.split(key, 3)
    x = jax.random.randint(k1, (B, T), 0, VOCAB, dtype=jnp.int32)
    token_table = jax.random.normal(k2, (VOCAB, BRAIN), dtype=jnp.float32) * 0.02
    pos_table = jax.random.normal(k3, (MAX_SEQ_LEN, BRAIN), dtype=jnp.float32) * 0.02
    return {"x": x, "token_table": token_table, "pos_table": pos_table}

def reference(x, token_table, pos_table):
    # token embedding lookup: [B, T] -> [B, T, BRAIN]
    token_embeddings = jnp.take(token_table, x, axis=0)
    # position embedding lookup: [T] -> [T, BRAIN], broadcast over batch
    T_ = x.shape[1]
    position_embeddings = jnp.take(pos_table, jnp.arange(0, T_), axis=0)
    out = token_embeddings + position_embeddings[None, :, :]
    return out

if __name__ == "__main__":
    import jax
    _d = setup_inputs()
    print(jax.jit(kernel)(*tuple(_d.values())))

</pallas_src>

<mosaic_0001>
#map = affine_map<(d0, d1) -> (0, 0, 0, 0)>
#map1 = affine_map<(d0, d1) -> (0, 0)>
module attributes {stable_mosaic.version = 14 : i64} {
  func.func @_body(%arg0: i32, %arg1: i32, %arg2: memref<32x25x8x128xi32, #tpu.memory_space<hbm>>, %arg3: memref<1000000x64xf32, #tpu.memory_space<hbm>>, %arg4: memref<200x64xf32, #tpu.memory_space<hbm>>, %arg5: memref<200x8x32x1024xf32, #tpu.memory_space<hbm>>, %arg6: memref<25x8x128xi32, #tpu.memory_space<vmem>>, %arg7: memref<200x64xf32, #tpu.memory_space<vmem>>, %arg8: memref<128x64xf32, #tpu.memory_space<vmem>>, %arg9: memref<128x64xf32, #tpu.memory_space<vmem>>, %arg10: memref<8320xf32, #tpu.memory_space<vmem>>, %arg11: memref<8320xf32, #tpu.memory_space<vmem>>, %arg12: memref<8192xf32, #tpu.memory_space<vmem>>, %arg13: memref<8192xf32, #tpu.memory_space<vmem>>, %arg14: memref<!tpu.dma_semaphore, #tpu.memory_space<semaphore_mem>>, %arg15: memref<!tpu.dma_semaphore, #tpu.memory_space<semaphore_mem>>, %arg16: memref<!tpu.dma_semaphore, #tpu.memory_space<semaphore_mem>>, %arg17: memref<!tpu.dma_semaphore, #tpu.memory_space<semaphore_mem>>) attributes {dimension_semantics = [#tpu.dimension_semantics<core_parallel>, #tpu.dimension_semantics<subcore_parallel>], iteration_bounds = array<i64: 2, 16>, scalar_prefetch = 0 : i64, scratch_operands = 12 : i64, tpu.core_type = #tpu.core_type<sc_vector_subcore>, window_params = [{transform_indices = #map}, {transform_indices = #map1}, {transform_indices = #map1}, {transform_indices = #map}]} {
    %mul3A = arith.constant 2 : i32
    %mul3A_0 = arith.muli %arg1, %mul3A : i32
    %add3A = arith.addi %mul3A_0, %arg0 : i32
    "tpu.region"() ({
      %run_scoped3A = tpu.sem_alloc : memref<!tpu.dma_semaphore, #tpu.memory_space<semaphore_mem>>
      %dma_start3A_209 = arith.constant 0 : i32
      %dma_start3A_210 = arith.constant 0 : i32
      %dma_start3A_211 = arith.constant 0 : i32
      %dma_start3A_212 = tpu.memref_slice %arg2[%add3A, %dma_start3A_209, %dma_start3A_210, %dma_start3A_211] : memref<32x25x8x128xi32, #tpu.memory_space<hbm>> -> memref<1x25x8x128xi32, #tpu.memory_space<hbm>>
      %dma_start3A_213 = tpu.memref_squeeze %dma_start3A_212 : memref<1x25x8x128xi32, #tpu.memory_space<hbm>> -> memref<25x8x128xi32, #tpu.memory_space<hbm>>
      %dma_start3A_214 = arith.constant 0 : i32
      %dma_start3A_215 = arith.constant 0 : i32
      %dma_start3A_216 = arith.constant 0 : i32
      %dma_start3A_217 = tpu.memref_slice %arg2[%add3A, %dma_start3A_214, %dma_start3A_215, %dma_start3A_216] : memref<32x25x8x128xi32, #tpu.memory_space<hbm>> -> memref<1x25x8x128xi32, #tpu.memory_space<hbm>>
      %dma_start3A_218 = tpu.memref_squeeze %dma_start3A_217 : memref<1x25x8x128xi32, #tpu.memory_space<hbm>> -> memref<25x8x128xi32, #tpu.memory_space<hbm>>
      tpu.enqueue_dma source(%dma_start3A_218 : memref<25x8x128xi32, #tpu.memory_space<hbm>>) target(%arg6 : memref<25x8x128xi32, #tpu.memory_space<vmem>>) target_semaphore(%run_scoped3A : memref<!tpu.dma_semaphore, #tpu.memory_space<semaphore_mem>>)
      %dma_wait3A_219 = arith.constant 0 : i32
      %dma_wait3A_220 = arith.constant 0 : i32
      %dma_wait3A_221 = arith.constant 0 : i32
      %dma_wait3A_222 = tpu.memref_slice %arg2[%add3A, %dma_wait3A_219, %dma_wait3A_220, %dma_wait3A_221] : memref<32x25x8x128xi32, #tpu.memory_space<hbm>> -> memref<1x25x8x128xi32, #tpu.memory_space<hbm>>
      %dma_wait3A_223 = tpu.memref_squeeze %dma_wait3A_222 : memref<1x25x8x128xi32, #tpu.memory_space<hbm>> -> memref<25x8x128xi32, #tpu.memory_space<hbm>>
      %dma_wait3A_224 = arith.constant 0 : i32
      %dma_wait3A_225 = arith.constant 0 : i32
      %dma_wait3A_226 = arith.constant 0 : i32
      %dma_wait3A_227 = tpu.memref_slice %arg2[%add3A, %dma_wait3A_224, %dma_wait3A_225, %dma_wait3A_226] : memref<32x25x8x128xi32, #tpu.memory_space<hbm>> -> memref<1x25x8x128xi32, #tpu.memory_space<hbm>>
      %dma_wait3A_228 = tpu.memref_squeeze %dma_wait3A_227 : memref<1x25x8x128xi32, #tpu.memory_space<hbm>> -> memref<25x8x128xi32, #tpu.memory_space<hbm>>
      tpu.wait_dma2 semaphore(%run_scoped3A : memref<!tpu.dma_semaphore, #tpu.memory_space<semaphore_mem>>) src(%dma_wait3A_228 : memref<25x8x128xi32, #tpu.memory_space<hbm>>) dst(%arg6 : memref<25x8x128xi32, #tpu.memory_space<vmem>>)
      tpu.yield
    }) : () -> ()
    "tpu.region"() ({
      %run_scoped3A = tpu.sem_alloc : memref<!tpu.dma_semaphore, #tpu.memory_space<semaphore_mem>>
      tpu.enqueue_dma source(%arg4 : memref<200x64xf32, #tpu.memory_space<hbm>>) target(%arg7 : memref<200x64xf32, #tpu.memory_space<vmem>>) target_semaphore(%run_scoped3A : memref<!tpu.dma_semaphore, #tpu.memory_space<semaphore_mem>>)
      tpu.wait_dma2 semaphore(%run_scoped3A : memref<!tpu.dma_semaphore, #tpu.memory_space<semaphore_mem>>) src(%arg4 : memref<200x64xf32, #tpu.memory_space<hbm>>) dst(%arg7 : memref<200x64xf32, #tpu.memory_space<vmem>>)
      tpu.yield
    }) : () -> ()
    %iota3A = tpu.iota {dimensions = array<i32: 0>} : vector<16xi32>
    %mul3A_1 = arith.constant 65 : i32
    %mul3A_2 = vector.broadcast %mul3A_1 : i32 to vector<16xi32>
    %mul3A_3 = arith.muli %iota3A, %mul3A_2 : vector<16xi32>
    %shift_right_logical3A = arith.constant 0 : i32
    %shift_right_logical3A_4 = arith.constant 3 : i32
    %shift_right_logical3A_5 = arith.shrui %shift_right_logical3A, %shift_right_logical3A_4 : i32
    %and3A = arith.constant 0 : i32
    %and3A_6 = arith.constant 7 : i32
    %and3A_7 = arith.andi %and3A, %and3A_6 : i32
    %dma_start3A = arith.constant 0 : i32
    %dma_start3A_8 = tpu.memref_slice %arg6[%shift_right_logical3A_5, %and3A_7, %dma_start3A] : memref<25x8x128xi32, #tpu.memory_space<vmem>> -> memref<1x1x128xi32, #tpu.memory_space<vmem>>
    %dma_start3A_9 = tpu.memref_squeeze %dma_start3A_8 : memref<1x1x128xi32, #tpu.memory_space<vmem>> -> memref<128xi32, #tpu.memory_space<vmem>>
    %dma_start3A_10 = arith.constant 0 : i32
    %dma_start3A_11 = arith.constant 0 : i32
    %dma_start3A_12 = tpu.memref_slice %arg3[%dma_start3A_10, %dma_start3A_11] : memref<1000000x64xf32, #tpu.memory_space<hbm>> -> memref<1000000x64xf32, #tpu.memory_space<hbm>>
    tpu.enqueue_indirect_dma source(%dma_start3A_12 : memref<1000000x64xf32, #tpu.memory_space<hbm>>) target(%arg8 : memref<128x64xf32, #tpu.memory_space<vmem>>) offsets(%dma_start3A_9 : memref<128xi32, #tpu.memory_space<vmem>>) semaphore(%arg14 : memref<!tpu.dma_semaphore, #tpu.memory_space<semaphore_mem>>)
    %scan3A = arith.constant 0 : i32
    %scan3A_13 = arith.constant 0 : i32
    %scan3A_14 = arith.constant 200 : i32
    %scan3A_15 = arith.addi %scan3A_13, %scan3A_14 : i32
    %scan3A_16 = arith.constant 1 : i32
    scf.for %scan3A_209 = %scan3A_13 to %scan3A_15 step %scan3A_16  : i32 {
      %rem3A = arith.constant 2 : i32
      %rem3A_210 = arith.remsi %scan3A_209, %rem3A : i32
      %eq3A = arith.constant 0 : i32
      %eq3A_211 = arith.cmpi eq, %rem3A_210, %eq3A : i32
      %convert_element_type3A = arith.extui %eq3A_211 : i1 to i32
      %cond3A = arith.constant 0 : i32
      %cond3A_212 = arith.cmpi ne, %convert_element_type3A, %cond3A : i32
      scf.if %cond3A_212 {
        %add3A_218 = arith.constant 1 : i32
        %add3A_219 = arith.addi %scan3A_209, %add3A_218 : i32
        %lt3A = arith.constant 200 : i32
        %lt3A_220 = arith.cmpi slt, %add3A_219, %lt3A : i32
        %convert_element_type3A_221 = arith.extui %lt3A_220 : i1 to i32
        %cond3A_222 = arith.constant 0 : i32
        %cond3A_223 = arith.cmpi ne, %convert_element_type3A_221, %cond3A_222 : i32
        scf.if %cond3A_223 {
          %add3A_342 = arith.constant 1 : i32
          %add3A_343 = arith.addi %scan3A_209, %add3A_342 : i32
          %shift_right_logical3A_344 = arith.constant 3 : i32
          %shift_right_logical3A_345 = arith.shrui %add3A_343, %shift_right_logical3A_344 : i32
          %and3A_346 = arith.constant 7 : i32
          %and3A_347 = arith.andi %add3A_343, %and3A_346 : i32
          %dma_start3A_348 = arith.constant 0 : i32
          %dma_start3A_349 = tpu.memref_slice %arg6[%shift_right_logical3A_345, %and3A_347, %dma_start3A_348] : memref<25x8x128xi32, #tpu.memory_space<vmem>> -> memref<1x1x128xi32, #tpu.memory_space<vmem>>
          %dma_start3A_350 = tpu.memref_squeeze %dma_start3A_349 : memref<1x1x128xi32, #tpu.memory_space<vmem>> -> memref<128xi32, #tpu.memory_space<vmem>>
          %dma_start3A_351 = arith.constant 0 : i32
          %dma_start3A_352 = arith.constant 0 : i32
          %dma_start3A_353 = tpu.memref_slice %arg3[%dma_start3A_351, %dma_start3A_352] : memref<1000000x64xf32, #tpu.memory_space<hbm>> -> memref<1000000x64xf32, #tpu.memory_space<hbm>>
          tpu.enqueue_indirect_dma source(%dma_start3A_353 : memref<1000000x64xf32, #tpu.memory_space<hbm>>) target(%arg9 : memref<128x64xf32, #tpu.memory_space<vmem>>) offsets(%dma_start3A_350 : memref<128xi32, #tpu.memory_space<vmem>>) semaphore(%arg15 : memref<!tpu.dma_semaphore, #tpu.memory_space<semaphore_mem>>)
        } else {
        }
        %shift_right_logical3A_224 = arith.constant 3 : i32
        %shift_right_logical3A_225 = arith.shrui %scan3A_209, %shift_right_logical3A_224 : i32
        %and3A_226 = arith.constant 7 : i32
        %and3A_227 = arith.andi %scan3A_209, %and3A_226 : i32
        %dma_wait3A_228 = arith.constant 0 : i32
        %dma_wait3A_229 = tpu.memref_slice %arg6[%shift_right_logical3A_225, %and3A_227, %dma_wait3A_228] : memref<25x8x128xi32, #tpu.memory_space<vmem>> -> memref<1x1x128xi32, #tpu.memory_space<vmem>>
        %dma_wait3A_230 = tpu.memref_squeeze %dma_wait3A_229 : memref<1x1x128xi32, #tpu.memory_space<vmem>> -> memref<128xi32, #tpu.memory_space<vmem>>
        %dma_wait3A_231 = arith.constant 0 : i32
        %dma_wait3A_232 = arith.constant 0 : i32
        %dma_wait3A_233 = tpu.memref_slice %arg3[%dma_wait3A_231, %dma_wait3A_232] : memref<1000000x64xf32, #tpu.memory_space<hbm>> -> memref<1000000x64xf32, #tpu.memory_space<hbm>>
        tpu.wait_indirect_dma semaphore(%arg14 : memref<!tpu.dma_semaphore, #tpu.memory_space<semaphore_mem>>) src(%dma_wait3A_233 : memref<1000000x64xf32, #tpu.memory_space<hbm>>) dst(%arg8 : memref<128x64xf32, #tpu.memory_space<vmem>>)
        %get3A = arith.index_cast %scan3A_209 : i32 to index
        %get3A_234 = arith.constant 0 : index
        %get3A_235 = tpu.vector_load %arg7[%get3A, %get3A_234] {strides = array<i32>} : memref<200x64xf32, #tpu.memory_space<vmem>>, vector<16xf32>,
        %get3A_236 = arith.index_cast %scan3A_209 : i32 to index
        %get3A_237 = arith.constant 16 : index
        %get3A_238 = tpu.vector_load %arg7[%get3A_236, %get3A_237] {strides = array<i32>} : memref<200x64xf32, #tpu.memory_space<vmem>>, vector<16xf32>,
        %get3A_239 = arith.index_cast %scan3A_209 : i32 to index
        %get3A_240 = arith.constant 32 : index
        %get3A_241 = tpu.vector_load %arg7[%get3A_239, %get3A_240] {strides = array<i32>} : memref<200x64xf32, #tpu.memory_space<vmem>>, vector<16xf32>,
        %get3A_242 = arith.index_cast %scan3A_209 : i32 to index
        %get3A_243 = arith.constant 48 : index
        %get3A_244 = tpu.vector_load %arg7[%get3A_242, %get3A_243] {strides = array<i32>} : memref<200x64xf32, #tpu.memory_space<vmem>>, vector<16xf32>,
        %parallel_loop3A = arith.constant 0 : i32
        %parallel_loop3A_245 = arith.constant 128 : i32
        %parallel_loop3A_246 = arith.constant 1 : i32
        scf.for %parallel_loop3A_342 = %parallel_loop3A to %parallel_loop3A_245 step %parallel_loop3A_246  : i32 {
          %parallel_loop3A_343 = arith.index_cast %parallel_loop3A_342 : i32 to index
          %parallel_loop3A_344 = arith.constant 0 : index
          %parallel_loop3A_345 = tpu.vector_load %arg8[%parallel_loop3A_343, %parallel_loop3A_344] {strides = array<i32>} : memref<128x64xf32, #tpu.memory_space<vmem>>, vector<16xf32>,
          %parallel_loop3A_346 = arith.addf %parallel_loop3A_345, %get3A_235 : vector<16xf32>
          %parallel_loop3A_347 = arith.constant 65 : i32
          %parallel_loop3A_348 = arith.muli %parallel_loop3A_342, %parallel_loop3A_347 : i32
          %parallel_loop3A_349 = arith.constant 0 : i32
          %parallel_loop3A_350 = arith.addi %parallel_loop3A_348, %parallel_loop3A_349 : i32
          %parallel_loop3A_351 = arith.index_cast %parallel_loop3A_350 : i32 to index
          %parallel_loop3A_352 = tpu.vector_load %arg10[%parallel_loop3A_351] {strides = array<i32>} : memref<8320xf32, #tpu.memory_space<vmem>>, vector<16xf32>,
          tpu.vector_store %arg10[%parallel_loop3A_351], %parallel_loop3A_346 {strides = array<i32>} : memref<8320xf32, #tpu.memory_space<vmem>>, vector<16xf32>,
          %parallel_loop3A_353 = arith.index_cast %parallel_loop3A_342 : i32 to index
          %parallel_loop3A_354 = arith.constant 16 : index
          %parallel_loop3A_355 = tpu.vector_load %arg8[%parallel_loop3A_353, %parallel_loop3A_354] {strides = array<i32>} : memref<128x64xf32, #tpu.memory_space<vmem>>, vector<16xf32>,
          %parallel_loop3A_356 = arith.addf %parallel_loop3A_355, %get3A_238 : vector<16xf32>
          %parallel_loop3A_357 = arith.constant 65 : i32
          %parallel_loop3A_358 = arith.muli %parallel_loop3A_342, %parallel_loop3A_357 : i32
          %parallel_loop3A_359 = arith.constant 16 : i32
          %parallel_loop3A_360 = arith.addi %parallel_loop3A_358, %parallel_loop3A_359 : i32
          %parallel_loop3A_361 = arith.index_cast %parallel_loop3A_360 : i32 to index
          %parallel_loop3A_362 = tpu.vector_load %arg10[%parallel_loop3A_361] {strides = array<i32>} : memref<8320xf32, #tpu.memory_space<vmem>>, vector<16xf32>,
          tpu.vector_store %arg10[%parallel_loop3A_361], %parallel_loop3A_356 {strides = array<i32>} : memref<8320xf32, #tpu.memory_space<vmem>>, vector<16xf32>,
          %parallel_loop3A_363 = arith.index_cast %parallel_loop3A_342 : i32 to index
          %parallel_loop3A_364 = arith.constant 32 : index
          %parallel_loop3A_365 = tpu.vector_load %arg8[%parallel_loop3A_363, %parallel_loop3A_364] {strides = array<i32>} : memref<128x64xf32, #tpu.memory_space<vmem>>, vector<16xf32>,
          %parallel_loop3A_366 = arith.addf %parallel_loop3A_365, %get3A_241 : vector<16xf32>
          %parallel_loop3A_367 = arith.constant 65 : i32
          %parallel_loop3A_368 = arith.muli %parallel_loop3A_342, %parallel_loop3A_367 : i32
          %parallel_loop3A_369 = arith.constant 32 : i32
          %parallel_loop3A_370 = arith.addi %parallel_loop3A_368, %parallel_loop3A_369 : i32
          %parallel_loop3A_371 = arith.index_cast %parallel_loop3A_370 : i32 to index
          %parallel_loop3A_372 = tpu.vector_load %arg10[%parallel_loop3A_371] {strides = array<i32>} : memref<8320xf32, #tpu.memory_space<vmem>>, vector<16xf32>,
          tpu.vector_store %arg10[%parallel_loop3A_371], %parallel_loop3A_366 {strides = array<i32>} : memref<8320xf32, #tpu.memory_space<vmem>>, vector<16xf32>,
          %parallel_loop3A_373 = arith.index_cast %parallel_loop3A_342 : i32 to index
          %parallel_loop3A_374 = arith.constant 48 : index
          %parallel_loop3A_375 = tpu.vector_load %arg8[%parallel_loop3A_373, %parallel_loop3A_374] {strides = array<i32>} : memref<128x64xf32, #tpu.memory_space<vmem>>, vector<16xf32>,
          %parallel_loop3A_376 = arith.addf %parallel_loop3A_375, %get3A_244 : vector<16xf32>
          %parallel_loop3A_377 = arith.constant 65 : i32
          %parallel_loop3A_378 = arith.muli %parallel_loop3A_342, %parallel_loop3A_377 : i32
          %parallel_loop3A_379 = arith.constant 48 : i32
          %parallel_loop3A_380 = arith.addi %parallel_loop3A_378, %parallel_loop3A_379 : i32
          %parallel_loop3A_381 = arith.index_cast %parallel_loop3A_380 : i32 to index
          %parallel_loop3A_382 = tpu.vector_load %arg10[%parallel_loop3A_381] {strides = array<i32>} : memref<8320xf32, #tpu.memory_space<vmem>>, vector<16xf32>,
          tpu.vector_store %arg10[%parallel_loop3A_381], %parallel_loop3A_376 {strides = array<i32>} : memref<8320xf32, #tpu.memory_space<vmem>>, vector<16xf32>,
        } {sc.loop_unroll_factor = 8 : i64, sc.parallel_access}
        %ge3A = arith.constant 2 : i32
        %ge3A_247 = arith.cmpi sge, %scan3A_209, %ge3A : i32
        %convert_element_type3A_248 = arith.extui %ge3A_247 : i1 to i32
        %cond3A_249 = arith.constant 0 : i32
        %cond3A_250 = arith.cmpi ne, %convert_element_type3A_248, %cond3A_249 : i32
        scf.if %cond3A_250 {
          %sub3A = arith.constant 2 : i32
          %sub3A_342 = arith.subi %scan3A_209, %sub3A : i32
          %dma_wait3A_343 = arith.constant 0 : i32
          %dma_wait3A_344 = arith.constant 0 : i32
          %dma_wait3A_345 = tpu.memref_slice %arg12[%dma_wait3A_344] : memref<8192xf32, #tpu.memory_space<vmem>> -> memref<1024xf32, #tpu.memory_space<vmem>>
          %dma_wait3A_346 = arith.constant 0 : i32
          %dma_wait3A_347 = tpu.memref_slice %arg5[%sub3A_342, %dma_wait3A_343, %add3A, %dma_wait3A_346] : memref<200x8x32x1024xf32, #tpu.memory_space<hbm>> -> memref<1x1x1x1024xf32, #tpu.memory_space<hbm>>
          %dma_wait3A_348 = tpu.memref_squeeze %dma_wait3A_347 : memref<1x1x1x1024xf32, #tpu.memory_space<hbm>> -> memref<1024xf32, #tpu.memory_space<hbm>>
          %dma_wait3A_349 = arith.constant 0 : i32
          %dma_wait3A_350 = tpu.memref_slice %arg5[%sub3A_342, %dma_wait3A_343, %add3A, %dma_wait3A_349] : memref<200x8x32x1024xf32, #tpu.memory_space<hbm>> -> memref<1x1x1x1024xf32, #tpu.memory_space<hbm>>
          %dma_wait3A_351 = tpu.memref_squeeze %dma_wait3A_350 : memref<1x1x1x1024xf32, #tpu.memory_space<hbm>> -> memref<1024xf32, #tpu.memory_space<hbm>>
          %dma_wait3A_352 = arith.constant 0 : i32
          %dma_wait3A_353 = tpu.memref_slice %arg12[%dma_wait3A_352] : memref<8192xf32, #tpu.memory_space<vmem>> -> memref<1024xf32, #tpu.memory_space<vmem>>
          tpu.wait_dma2 semaphore(%arg16 : memref<!tpu.dma_semaphore, #tpu.memory_space<semaphore_mem>>) src(%dma_wait3A_353 : memref<1024xf32, #tpu.memory_space<vmem>>) dst(%dma_wait3A_351 : memref<1024xf32, #tpu.memory_space<hbm>>)
          %sub3A_354 = arith.constant 2 : i32
          %sub3A_355 = arith.subi %scan3A_209, %sub3A_354 : i32
          %dma_wait3A_356 = arith.constant 1 : i32
          %dma_wait3A_357 = arith.constant 1024 : i32
          %dma_wait3A_358 = tpu.memref_slice %arg12[%dma_wait3A_357] : memref<8192xf32, #tpu.memory_space<vmem>> -> memref<1024xf32, #tpu.memory_space<vmem>>
          %dma_wait3A_359 = arith.constant 0 : i32
          %dma_wait3A_360 = tpu.memref_slice %arg5[%sub3A_355, %dma_wait3A_356, %add3A, %dma_wait3A_359] : memref<200x8x32x1024xf32, #tpu.memory_space<hbm>> -> memref<1x1x1x1024xf32, #tpu.memory_space<hbm>>
          %dma_wait3A_361 = tpu.memref_squeeze %dma_wait3A_360 : memref<1x1x1x1024xf32, #tpu.memory_space<hbm>> -> memref<1024xf32, #tpu.memory_space<hbm>>
          %dma_wait3A_362 = arith.constant 0 : i32
          %dma_wait3A_363 = tpu.memref_slice %arg5[%sub3A_355, %dma_wait3A_356, %add3A, %dma_wait3A_362] : memref<200x8x32x1024xf32, #tpu.memory_space<hbm>> -> memref<1x1x1x1024xf32, #tpu.memory_space<hbm>>
          %dma_wait3A_364 = tpu.memref_squeeze %dma_wait3A_363 : memref<1x1x1x1024xf32, #tpu.memory_space<hbm>> -> memref<1024xf32, #tpu.memory_space<hbm>>
          %dma_wait3A_365 = arith.constant 1024 : i32
          %dma_wait3A_366 = tpu.memref_slice %arg12[%dma_wait3A_365] : memref<8192xf32, #tpu.memory_space<vmem>> -> memref<1024xf32, #tpu.memory_space<vmem>>
          tpu.wait_dma2 semaphore(%arg16 : memref<!tpu.dma_semaphore, #tpu.memory_space<semaphore_mem>>) src(%dma_wait3A_366 : memref<1024xf32, #tpu.memory_space<vmem>>) dst(%dma_wait3A_364 : memref<1024xf32, #tpu.memory_space<hbm>>)
          %sub3A_367 = arith.constant 2 : i32
          %sub3A_368 = arith.subi %scan3A_209, %sub3A_367 : i32
          %dma_wait3A_369 = arith.constant 2 : i32
          %dma_wait3A_370 = arith.constant 2048 : i32
          %dma_wait3A_371 = tpu.memref_slice %arg12[%dma_wait3A_370] : memref<8192xf32, #tpu.memory_space<vmem>> -> memref<1024xf32, #tpu.memory_space<vmem>>
          %dma_wait3A_372 = arith.constant 0 : i32
          %dma_wait3A_373 = tpu.memref_slice %arg5[%sub3A_368, %dma_wait3A_369, %add3A, %dma_wait3A_372] : memref<200x8x32x1024xf32, #tpu.memory_space<hbm>> -> memref<1x1x1x1024xf32, #tpu.memory_space<hbm>>
          %dma_wait3A_374 = tpu.memref_squeeze %dma_wait3A_373 : memref<1x1x1x1024xf32, #tpu.memory_space<hbm>> -> memref<1024xf32, #tpu.memory_space<hbm>>
          %dma_wait3A_375 = arith.constant 0 : i32
          %dma_wait3A_376 = tpu.memref_slice %arg5[%sub3A_368, %dma_wait3A_369, %add3A, %dma_wait3A_375] : memref<200x8x32x1024xf32, #tpu.memory_space<hbm>> -> memref<1x1x1x1024xf32, #tpu.memory_space<hbm>>
          %dma_wait3A_377 = tpu.memref_squeeze %dma_wait3A_376 : memref<1x1x1x1024xf32, #tpu.memory_space<hbm>> -> memref<1024xf32, #tpu.memory_space<hbm>>
          %dma_wait3A_378 = arith.constant 2048 : i32
          %dma_wait3A_379 = tpu.memref_slice %arg12[%dma_wait3A_378] : memref<8192xf32, #tpu.memory_space<vmem>> -> memref<1024xf32, #tpu.memory_space<vmem>>
          tpu.wait_dma2 semaphore(%arg16 : memref<!tpu.dma_semaphore, #tpu.memory_space<semaphore_mem>>) src(%dma_wait3A_379 : memref<1024xf32, #tpu.memory_space<vmem>>) dst(%dma_wait3A_377 : memref<1024xf32, #tpu.memory_space<hbm>>)
          %sub3A_380 = arith.constant 2 : i32
          %sub3A_381 = arith.subi %scan3A_209, %sub3A_380 : i32
          %dma_wait3A_382 = arith.constant 3 : i32
          %dma_wait3A_383 = arith.constant 3072 : i32
          %dma_wait3A_384 = tpu.memref_slice %arg12[%dma_wait3A_383] : memref<8192xf32, #tpu.memory_space<vmem>> -> memref<1024xf32, #tpu.memory_space<vmem>>
          %dma_wait3A_385 = arith.constant 0 : i32
          %dma_wait3A_386 = tpu.memref_slice %arg5[%sub3A_381, %dma_wait3A_382, %add3A, %dma_wait3A_385] : memref<200x8x32x1024xf32, #tpu.memory_space<hbm>> -> memref<1x1x1x1024xf32, #tpu.memory_space<hbm>>
          %dma_wait3A_387 = tpu.memref_squeeze %dma_wait3A_386 : memref<1x1x1x1024xf32, #tpu.memory_space<hbm>> -> memref<1024xf32, #tpu.memory_space<hbm>>
          %dma_wait3A_388 = arith.constant 0 : i32
          %dma_wait3A_389 = tpu.memref_slice %arg5[%sub3A_381, %dma_wait3A_382, %add3A, %dma_wait3A_388] : memref<200x8x32x1024xf32, #tpu.memory_space<hbm>> -> memref<1x1x1x1024xf32, #tpu.memory_space<hbm>>
          %dma_wait3A_390 = tpu.memref_squeeze %dma_wait3A_389 : memref<1x1x1x1024xf32, #tpu.memory_space<hbm>> -> memref<1024xf32, #tpu.memory_space<hbm>>
          %dma_wait3A_391 = arith.constant 3072 : i32
          %dma_wait3A_392 = tpu.memref_slice %arg12[%dma_wait3A_391] : memref<8192xf32, #tpu.memory_space<vmem>> -> memref<1024xf32, #tpu.memory_space<vmem>>
          tpu.wait_dma2 semaphore(%arg16 : memref<!tpu.dma_semaphore, #tpu.memory_space<semaphore_mem>>) src(%dma_wait3A_392 : memref<1024xf32, #tpu.memory_space<vmem>>) dst(%dma_wait3A_390 : memref<1024xf32, #tpu.memory_space<hbm>>)
          %sub3A_393 = arith.constant 2 : i32
          %sub3A_394 = arith.subi %scan3A_209, %sub3A_393 : i32
          %dma_wait3A_395 = arith.constant 4 : i32
          %dma_wait3A_396 = arith.constant 4096 : i32
          %dma_wait3A_397 = tpu.memref_slice %arg12[%dma_wait3A_396] : memref<8192xf32, #tpu.memory_space<vmem>> -> memref<1024xf32, #tpu.memory_space<vmem>>
          %dma_wait3A_398 = arith.constant 0 : i32
          %dma_wait3A_399 = tpu.memref_slice %arg5[%sub3A_394, %dma_wait3A_395, %add3A, %dma_wait3A_398] : memref<200x8x32x1024xf32, #tpu.memory_space<hbm>> -> memref<1x1x1x1024xf32, #tpu.memory_space<hbm>>
          %dma_wait3A_400 = tpu.memref_squeeze %dma_wait3A_399 : memref<1x1x1x1024xf32, #tpu.memory_space<hbm>> -> memref<1024xf32, #tpu.memory_space<hbm>>
          %dma_wait3A_401 = arith.constant 0 : i32
          %dma_wait3A_402 = tpu.memref_slice %arg5[%sub3A_394, %dma_wait3A_395, %add3A, %dma_wait3A_401] : memref<200x8x32x1024xf32, #tpu.memory_space<hbm>> -> memref<1x1x1x1024xf32, #tpu.memory_space<hbm>>
          %dma_wait3A_403 = tpu.memref_squeeze %dma_wait3A_402 : memref<1x1x1x1024xf32, #tpu.memory_space<hbm>> -> memref<1024xf32, #tpu.memory_space<hbm>>
          %dma_wait3A_404 = arith.constant 4096 : i32
          %dma_wait3A_405 = tpu.memref_slice %arg12[%dma_wait3A_404] : memref<8192xf32, #tpu.memory_space<vmem>> -> memref<1024xf32, #tpu.memory_space<vmem>>
          tpu.wait_dma2 semaphore(%arg16 : memref<!tpu.dma_semaphore, #tpu.memory_space<semaphore_mem>>) src(%dma_wait3A_405 : memref<1024xf32, #tpu.memory_space<vmem>>) dst(%dma_wait3A_403 : memref<1024xf32, #tpu.memory_space<hbm>>)
          %sub3A_406 = arith.constant 2 : i32
          %sub3A_407 = arith.subi %scan3A_209, %sub3A_406 : i32
          %dma_wait3A_408 = arith.constant 5 : i32
          %dma_wait3A_409 = arith.constant 5120 : i32
          %dma_wait3A_410 = tpu.memref_slice %arg12[%dma_wait3A_409] : memref<8192xf32, #tpu.memory_space<vmem>> -> memref<1024xf32, #tpu.memory_space<vmem>>
          %dma_wait3A_411 = arith.constant 0 : i32
          %dma_wait3A_412 = tpu.memref_slice %arg5[%sub3A_407, %dma_wait3A_408, %add3A, %dma_wait3A_411] : memref<200x8x32x1024xf32, #tpu.memory_space<hbm>> -> memref<1x1x1x1024xf32, #tpu.memory_space<hbm>>
          %dma_wait3A_413 = tpu.memref_squeeze %dma_wait3A_412 : memref<1x1x1x1024xf32, #tpu.memory_space<hbm>> -> memref<1024xf32, #tpu.memory_space<hbm>>
          %dma_wait3A_414 = arith.constant 0 : i32
          %dma_wait3A_415 = tpu.memref_slice %arg5[%sub3A_407, %dma_wait3A_408, %add3A, %dma_wait3A_414] : memref<200x8x32x1024xf32, #tpu.memory_space<hbm>> -> memref<1x1x1x1024xf32, #tpu.memory_space<hbm>>
          %dma_wait3A_416 = tpu.memref_squeeze %dma_wait3A_415 : memref<1x1x1x1024xf32, #tpu.memory_space<hbm>> -> memref<1024xf32, #tpu.memory_space<hbm>>
          %dma_wait3A_417 = arith.constant 5120 : i32
          %dma_wait3A_418 = tpu.memref_slice %arg12[%dma_wait3A_417] : memref<8192xf32, #tpu.memory_space<vmem>> -> memref<1024xf32, #tpu.memory_space<vmem>>
          tpu.wait_dma2 semaphore(%arg16 : memref<!tpu.dma_semaphore, #tpu.memory_space<semaphore_mem>>) src(%dma_wait3A_418 : memref<1024xf32, #tpu.memory_space<vmem>>) dst(%dma_wait3A_416 : memref<1024xf32, #tpu.memory_space<hbm>>)
          %sub3A_419 = arith.constant 2 : i32
          %sub3A_420 = arith.subi %scan3A_209, %sub3A_419 : i32
          %dma_wait3A_421 = arith.constant 6 : i32
          %dma_wait3A_422 = arith.constant 6144 : i32
          %dma_wait3A_423 = tpu.memref_slice %arg12[%dma_wait3A_422] : memref<8192xf32, #tpu.memory_space<vmem>> -> memref<1024xf32, #tpu.memory_space<vmem>>
          %dma_wait3A_424 = arith.constant 0 : i32
          %dma_wait3A_425 = tpu.memref_slice %arg5[%sub3A_420, %dma_wait3A_421, %add3A, %dma_wait3A_424] : memref<200x8x32x1024xf32, #tpu.memory_space<hbm>> -> memref<1x1x1x1024xf32, #tpu.memory_space<hbm>>
          %dma_wait3A_426 = tpu.memref_squeeze %dma_wait3A_425 : memref<1x1x1x1024xf32, #tpu.memory_space<hbm>> -> memref<1024xf32, #tpu.memory_space<hbm>>
          %dma_wait3A_427 = arith.constant 0 : i32
          %dma_wait3A_428 = tpu.memref_slice %arg5[%sub3A_420, %dma_wait3A_421, %add3A, %dma_wait3A_427] : memref<200x8x32x1024xf32, #tpu.memory_space<hbm>> -> memref<1x1x1x1024xf32, #tpu.memory_space<hbm>>
          %dma_wait3A_429 = tpu.memref_squeeze %dma_wait3A_428 : memref<1x1x1x1024xf32, #tpu.memory_space<hbm>> -> memref<1024xf32, #tpu.memory_space<hbm>>
          %dma_wait3A_430 = arith.constant 6144 : i32
          %dma_wait3A_431 = tpu.memref_slice %arg12[%dma_wait3A_430] : memref<8192xf32, #tpu.memory_space<vmem>> -> memref<1024xf32, #tpu.memory_space<vmem>>
          tpu.wait_dma2 semaphore(%arg16 : memref<!tpu.dma_semaphore, #tpu.memory_space<semaphore_mem>>) src(%dma_wait3A_431 : memref<1024xf32, #tpu.memory_space<vmem>>) dst(%dma_wait3A_429 : memref<1024xf32, #tpu.memory_space<hbm>>)
          %sub3A_432 = arith.constant 2 : i32
          %sub3A_433 = arith.subi %scan3A_209, %sub3A_432 : i32
          %dma_wait3A_434 = arith.constant 7 : i32
          %dma_wait3A_435 = arith.constant 7168 : i32
          %dma_wait3A_436 = tpu.memref_slice %arg12[%dma_wait3A_435] : memref<8192xf32, #tpu.memory_space<vmem>> -> memref<1024xf32, #tpu.memory_space<vmem>>
          %dma_wait3A_437 = arith.constant 0 : i32
          %dma_wait3A_438 = tpu.memref_slice %arg5[%sub3A_433, %dma_wait3A_434, %add3A, %dma_wait3A_437] : memref<200x8x32x1024xf32, #tpu.memory_space<hbm>> -> memref<1x1x1x1024xf32, #tpu.memory_space<hbm>>
          %dma_wait3A_439 = tpu.memref_squeeze %dma_wait3A_438 : memref<1x1x1x1024xf32, #tpu.memory_space<hbm>> -> memref<1024xf32, #tpu.memory_space<hbm>>
          %dma_wait3A_440 = arith.constant 0 : i32
          %dma_wait3A_441 = tpu.memref_slice %arg5[%sub3A_433, %dma_wait3A_434, %add3A, %dma_wait3A_440] : memref<200x8x32x1024xf32, #tpu.memory_space<hbm>> -> memref<1x1x1x1024xf32, #tpu.memory_space<hbm>>
          %dma_wait3A_442 = tpu.memref_squeeze %dma_wait3A_441 : memref<1x1x1x1024xf32, #tpu.memory_space<hbm>> -> memref<1024xf32, #tpu.memory_space<hbm>>
          %dma_wait3A_443 = arith.constant 7168 : i32
          %dma_wait3A_444 = tpu.memref_slice %arg12[%dma_wait3A_443] : memref<8192xf32, #tpu.memory_space<vmem>> -> memref<1024xf32, #tpu.memory_space<vmem>>
          tpu.wait_dma2 semaphore(%arg16 : memref<!tpu.dma_semaphore, #tpu.memory_space<semaphore_mem>>) src(%dma_wait3A_444 : memref<1024xf32, #tpu.memory_space<vmem>>) dst(%dma_wait3A_442 : memref<1024xf32, #tpu.memory_space<hbm>>)
        } else {
        }
        %parallel_loop3A_251 = arith.constant 0 : i32
        %parallel_loop3A_252 = arith.constant 512 : i32
        %parallel_loop3A_253 = arith.constant 1 : i32
        scf.for %parallel_loop3A_342 = %parallel_loop3A_251 to %parallel_loop3A_252 step %parallel_loop3A_253  : i32 {
          %parallel_loop3A_343 = arith.constant 6 : i32
          %parallel_loop3A_344 = arith.shrui %parallel_loop3A_342, %parallel_loop3A_343 : i32
          %parallel_loop3A_345 = arith.constant 63 : i32
          %parallel_loop3A_346 = arith.andi %parallel_loop3A_342, %parallel_loop3A_345 : i32
          %parallel_loop3A_347 = arith.constant 1040 : i32
          %parallel_loop3A_348 = arith.muli %parallel_loop3A_344, %parallel_loop3A_347 : i32
          %parallel_loop3A_349 = arith.addi %parallel_loop3A_348, %parallel_loop3A_346 : i32
          %parallel_loop3A_350 = vector.broadcast %parallel_loop3A_349 : i32 to vector<16xi32>
          %parallel_loop3A_351 = arith.addi %mul3A_3, %parallel_loop3A_350 : vector<16xi32>
          %parallel_loop3A_352 = tpu.vector_load_idx %arg10[%parallel_loop3A_351] : memref<8320xf32, #tpu.memory_space<vmem>>[vector<16xi32>], vector<16xf32>,
          %parallel_loop3A_353 = arith.constant 128 : i32
          %parallel_loop3A_354 = arith.muli %parallel_loop3A_346, %parallel_loop3A_353 : i32
          %parallel_loop3A_355 = arith.constant 16 : i32
          %parallel_loop3A_356 = arith.muli %parallel_loop3A_344, %parallel_loop3A_355 : i32
          %parallel_loop3A_357 = arith.addi %parallel_loop3A_354, %parallel_loop3A_356 : i32
          %parallel_loop3A_358 = arith.index_cast %parallel_loop3A_357 : i32 to index
          %parallel_loop3A_359 = tpu.vector_load %arg12[%parallel_loop3A_358] {strides = array<i32>} : memref<8192xf32, #tpu.memory_space<vmem>>, vector<16xf32>,
          tpu.vector_store %arg12[%parallel_loop3A_358], %parallel_loop3A_352 {strides = array<i32>} : memref<8192xf32, #tpu.memory_space<vmem>>, vector<16xf32>,
        } {sc.loop_unroll_factor = 16 : i64, sc.parallel_access}
        %dma_start3A_254 = arith.constant 0 : i32
        %dma_start3A_255 = arith.constant 0 : i32
        %dma_start3A_256 = tpu.memref_slice %arg12[%dma_start3A_255] : memref<8192xf32, #tpu.memory_space<vmem>> -> memref<1024xf32, #tpu.memory_space<vmem>>
        %dma_start3A_257 = arith.constant 0 : i32
        %dma_start3A_258 = tpu.memref_slice %arg5[%scan3A_209, %dma_start3A_254, %add3A, %dma_start3A_257] : memref<200x8x32x1024xf32, #tpu.memory_space<hbm>> -> memref<1x1x1x1024xf32, #tpu.memory_space<hbm>>
        %dma_start3A_259 = tpu.memref_squeeze %dma_start3A_258 : memref<1x1x1x1024xf32, #tpu.memory_space<hbm>> -> memref<1024xf32, #tpu.memory_space<hbm>>
        %dma_start3A_260 = arith.constant 0 : i32
        %dma_start3A_261 = tpu.memref_slice %arg5[%scan3A_209, %dma_start3A_254, %add3A, %dma_start3A_260] : memref<200x8x32x1024xf32, #tpu.memory_space<hbm>> -> memref<1x1x1x1024xf32, #tpu.memory_space<hbm>>
        %dma_start3A_262 = tpu.memref_squeeze %dma_start3A_261 : memref<1x1x1x1024xf32, #tpu.memory_space<hbm>> -> memref<1024xf32, #tpu.memory_space<hbm>>
        %dma_start3A_263 = arith.constant 0 : i32
        %dma_start3A_264 = tpu.memref_slice %arg12[%dma_start3A_263] : memref<8192xf32, #tpu.memory_space<vmem>> -> memref<1024xf32, #tpu.memory_space<vmem>>
        tpu.enqueue_dma source(%dma_start3A_264 : memref<1024xf32, #tpu.memory_space<vmem>>) target(%dma_start3A_262 : memref<1024xf32, #tpu.memory_space<hbm>>) target_semaphore(%arg16 : memref<!tpu.dma_semaphore, #tpu.memory_space<semaphore_mem>>)
        %dma_start3A_265 = arith.constant 1 : i32
        %dma_start3A_266 = arith.constant 1024 : i32
        %dma_start3A_267 = tpu.memref_slice %arg12[%dma_start3A_266] : memref<8192xf32, #tpu.memory_space<vmem>> -> memref<1024xf32, #tpu.memory_space<vmem>>
        %dma_start3A_268 = arith.constant 0 : i32
        %dma_start3A_269 = tpu.memref_slice %arg5[%scan3A_209, %dma_start3A_265, %add3A, %dma_start3A_268] : memref<200x8x32x1024xf32, #tpu.memory_space<hbm>> -> memref<1x1x1x1024xf32, #tpu.memory_space<hbm>>
        %dma_start3A_270 = tpu.memref_squeeze %dma_start3A_269 : memref<1x1x1x1024xf32, #tpu.memory_space<hbm>> -> memref<1024xf32, #tpu.memory_space<hbm>>
        %dma_start3A_271 = arith.constant 0 : i32
        %dma_start3A_272 = tpu.memref_slice %arg5[%scan3A_209, %dma_start3A_265, %add3A, %dma_start3A_271] : memref<200x8x32x1024xf32, #tpu.memory_space<hbm>> -> memref<1x1x1x1024xf32, #tpu.memory_space<hbm>>
        %dma_start3A_273 = tpu.memref_squeeze %dma_start3A_272 : memref<1x1x1x1024xf32, #tpu.memory_space<hbm>> -> memref<1024xf32, #tpu.memory_space<hbm>>
        %dma_start3A_274 = arith.constant 1024 : i32
        %dma_start3A_275 = tpu.memref_slice %arg12[%dma_start3A_274] : memref<8192xf32, #tpu.memory_space<vmem>> -> memref<1024xf32, #tpu.memory_space<vmem>>
        tpu.enqueue_dma source(%dma_start3A_275 : memref<1024xf32, #tpu.memory_space<vmem>>) target(%dma_start3A_273 : memref<1024xf32, #tpu.memory_space<hbm>>) target_semaphore(%arg16 : memref<!tpu.dma_semaphore, #tpu.memory_space<semaphore_mem>>)
        %dma_start3A_276 = arith.constant 2 : i32
        %dma_start3A_277 = arith.constant 2048 : i32
        %dma_start3A_278 = tpu.memref_slice %arg12[%dma_start3A_277] : memref<8192xf32, #tpu.memory_space<vmem>> -> memref<1024xf32, #tpu.memory_space<vmem>>
        %dma_start3A_279 = arith.constant 0 : i32
        %dma_start3A_280 = tpu.memref_slice %arg5[%scan3A_209, %dma_start3A_276, %add3A, %dma_start3A_279] : memref<200x8x32x1024xf32, #tpu.memory_space<hbm>> -> memref<1x1x1x1024xf32, #tpu.memory_space<hbm>>
        %dma_start3A_281 = tpu.memref_squeeze %dma_start3A_280 : memref<1x1x1x1024xf32, #tpu.memory_space<hbm>> -> memref<1024xf32, #tpu.memory_space<hbm>>
        %dma_start3A_282 = arith.constant 0 : i32
        %dma_start3A_283 = tpu.memref_slice %arg5[%scan3A_209, %dma_start3A_276, %add3A, %dma_start3A_282] : memref<200x8x32x1024xf32, #tpu.memory_space<hbm>> -> memref<1x1x1x1024xf32, #tpu.memory_space<hbm>>
        %dma_start3A_284 = tpu.memref_squeeze %dma_start3A_283 : memref<1x1x1x1024xf32, #tpu.memory_space<hbm>> -> memref<1024xf32, #tpu.memory_space<hbm>>
        %dma_start3A_285 = arith.constant 2048 : i32
        %dma_start3A_286 = tpu.memref_slice %arg12[%dma_start3A_285] : memref<8192xf32, #tpu.memory_space<vmem>> -> memref<1024xf32, #tpu.memory_space<vmem>>
        tpu.enqueue_dma source(%dma_start3A_286 : memref<1024xf32, #tpu.memory_space<vmem>>) target(%dma_start3A_284 : memref<1024xf32, #tpu.memory_space<hbm>>) target_semaphore(%arg16 : memref<!tpu.dma_semaphore, #tpu.memory_space<semaphore_mem>>)
        %dma_start3A_287 = arith.constant 3 : i32
        %dma_start3A_288 = arith.constant 3072 : i32
        %dma_start3A_289 = tpu.memref_slice %arg12[%dma_start3A_288] : memref<8192xf32, #tpu.memory_space<vmem>> -> memref<1024xf32, #tpu.memory_space<vmem>>
        %dma_start3A_290 = arith.constant 0 : i32
        %dma_start3A_291 = tpu.memref_slice %arg5[%scan3A_209, %dma_start3A_287, %add3A, %dma_start3A_290] : memref<200x8x32x1024xf32, #tpu.memory_space<hbm>> -> memref<1x1x1x1024xf32, #tpu.memory_space<hbm>>
        %dma_start3A_292 = tpu.memref_squeeze %dma_start3A_291 : memref<1x1x1x1024xf32, #tpu.memory_space<hbm>> -> memref<1024xf32, #tpu.memory_space<hbm>>
        %dma_start3A_293 = arith.constant 0 : i32
        %dma_start3A_294 = tpu.memref_slice %arg5[%scan3A_209, %dma_start3A_287, %add3A, %dma_start3A_293] : memref<200x8x32x1024xf32, #tpu.memory_space<hbm>> -> memref<1x1x1x1024xf32, #tpu.memory_space<hbm>>
        %dma_start3A_295 = tpu.memref_squeeze %dma_start3A_294 : memref<1x1x1x1024xf32, #tpu.memory_space<hbm>> -> memref<1024xf32, #tpu.memory_space<hbm>>
        %dma_start3A_296 = arith.constant 3072 : i32
        %dma_start3A_297 = tpu.memref_slice %arg12[%dma_start3A_296] : memref<8192xf32, #tpu.memory_space<vmem>> -> memref<1024xf32, #tpu.memory_space<vmem>>
        tpu.enqueue_dma source(%dma_start3A_297 : memref<1024xf32, #tpu.memory_space<vmem>>) target(%dma_start3A_295 : memref<1024xf32, #tpu.memory_space<hbm>>) target_semaphore(%arg16 : memref<!tpu.dma_semaphore, #tpu.memory_space<semaphore_mem>>)
        %dma_start3A_298 = arith.constant 4 : i32
        %dma_start3A_299 = arith.constant 4096 : i32
        %dma_start3A_300 = tpu.memref_slice %arg12[%dma_start3A_299] : memref<8192xf32, #tpu.memory_space<vmem>> -> memref<1024xf32, #tpu.memory_space<vmem>>
        %dma_start3A_301 = arith.constant 0 : i32
        %dma_start3A_302 = tpu.memref_slice %arg5[%scan3A_209, %dma_start3A_298, %add3A, %dma_start3A_301] : memref<200x8x32x1024xf32, #tpu.memory_space<hbm>> -> memref<1x1x1x1024xf32, #tpu.memory_space<hbm>>
        %dma_start3A_303 = tpu.memref_squeeze %dma_start3A_302 : memref<1x1x1x1024xf32, #tpu.memory_space<hbm>> -> memref<1024xf32, #tpu.memory_space<hbm>>
        %dma_start3A_304 = arith.constant 0 : i32
        %dma_start3A_305 = tpu.memref_slice %arg5[%scan3A_209, %dma_start3A_298, %add3A, %dma_start3A_304] : memref<200x8x32x1024xf32, #tpu.memory_space<hbm>> -> memref<1x1x1x1024xf32, #tpu.memory_space<hbm>>
        %dma_start3A_306 = tpu.memref_squeeze %dma_start3A_305 : memref<1x1x1x1024xf32, #tpu.memory_space<hbm>> -> memref<1024xf32, #tpu.memory_space<hbm>>
        %dma_start3A_307 = arith.constant 4096 : i32
        %dma_start3A_308 = tpu.memref_slice %arg12[%dma_start3A_307] : memref<8192xf32, #tpu.memory_space<vmem>> -> memref<1024xf32, #tpu.memory_space<vmem>>
        tpu.enqueue_dma source(%dma_start3A_308 : memref<1024xf32, #tpu.memory_space<vmem>>) target(%dma_start3A_306 : memref<1024xf32, #tpu.memory_space<hbm>>) target_semaphore(%arg16 : memref<!tpu.dma_semaphore, #tpu.memory_space<semaphore_mem>>)
        %dma_start3A_309 = arith.constant 5 : i32
        %dma_start3A_310 = arith.constant 5120 : i32
        %dma_start3A_311 = tpu.memref_slice %arg12[%dma_start3A_310] : memref<8192xf32, #tpu.memory_space<vmem>> -> memref<1024xf32, #tpu.memory_space<vmem>>
        %dma_start3A_312 = arith.constant 0 : i32
        %dma_start3A_313 = tpu.memref_slice %arg5[%scan3A_209, %dma_start3A_309, %add3A, %dma_start3A_312] : memref<200x8x32x1024xf32, #tpu.memory_space<hbm>> -> memref<1x1x1x1024xf32, #tpu.memory_space<hbm>>
        %dma_start3A_314 = tpu.memref_squeeze %dma_start3A_313 : memref<1x1x1x1024xf32, #tpu.memory_space<hbm>> -> memref<1024xf32, #tpu.memory_space<hbm>>
        %dma_start3A_315 = arith.constant 0 : i32
        %dma_start3A_316 = tpu.memref_slice %arg5[%scan3A_209, %dma_start3A_309, %add3A, %dma_start3A_315] : memref<200x8x32x1024xf32, #tpu.memory_space<hbm>> -> memref<1x1x1x1024xf32, #tpu.memory_space<hbm>>
        %dma_start3A_317 = tpu.memref_squeeze %dma_start3A_316 : memref<1x1x1x1024xf32, #tpu.memory_space<hbm>> -> memref<1024xf32, #tpu.memory_space<hbm>>
        %dma_start3A_318 = arith.constant 5120 : i32
        %dma_start3A_319 = tpu.memref_slice %arg12[%dma_start3A_318] : memref<8192xf32, #tpu.memory_space<vmem>> -> memref<1024xf32, #tpu.memory_space<vmem>>
        tpu.enqueue_dma source(%dma_start3A_319 : memref<1024xf32, #tpu.memory_space<vmem>>) target(%dma_start3A_317 : memref<1024xf32, #tpu.memory_space<hbm>>) target_semaphore(%arg16 : memref<!tpu.dma_semaphore, #tpu.memory_space<semaphore_mem>>)
        %dma_start3A_320 = arith.constant 6 : i32
        %dma_start3A_321 = arith.constant 6144 : i32
        %dma_start3A_322 = tpu.memref_slice %arg12[%dma_start3A_321] : memref<8192xf32, #tpu.memory_space<vmem>> -> memref<1024xf32, #tpu.memory_space<vmem>>
        %dma_start3A_323 = arith.constant 0 : i32
        %dma_start3A_324 = tpu.memref_slice %arg5[%scan3A_209, %dma_start3A_320, %add3A, %dma_start3A_323] : memref<200x8x32x1024xf32, #tpu.memory_space<hbm>> -> memref<1x1x1x1024xf32, #tpu.memory_space<hbm>>
        %dma_start3A_325 = tpu.memref_squeeze %dma_start3A_324 : memref<1x1x1x1024xf32, #tpu.memory_space<hbm>> -> memref<1024xf32, #tpu.memory_space<hbm>>
        %dma_start3A_326 = arith.constant 0 : i32
        %dma_start3A_327 = tpu.memref_slice %arg5[%scan3A_209, %dma_start3A_320, %add3A, %dma_start3A_326] : memref<200x8x32x1024xf32, #tpu.memory_space<hbm>> -> memref<1x1x1x1024xf32, #tpu.memory_space<hbm>>
        %dma_start3A_328 = tpu.memref_squeeze %dma_start3A_327 : memref<1x1x1x1024xf32, #tpu.memory_space<hbm>> -> memref<1024xf32, #tpu.memory_space<hbm>>
        %dma_start3A_329 = arith.constant 6144 : i32
        %dma_start3A_330 = tpu.memref_slice %arg12[%dma_start3A_329] : memref<8192xf32, #tpu.memory_space<vmem>> -> memref<1024xf32, #tpu.memory_space<vmem>>
        tpu.enqueue_dma source(%dma_start3A_330 : memref<1024xf32, #tpu.memory_space<vmem>>) target(%dma_start3A_328 : memref<1024xf32, #tpu.memory_space<hbm>>) target_semaphore(%arg16 : memref<!tpu.dma_semaphore, #tpu.memory_space<semaphore_mem>>)
        %dma_start3A_331 = arith.constant 7 : i32
        %dma_start3A_332 = arith.constant 7168 : i32
        %dma_start3A_333 = tpu.memref_slice %arg12[%dma_start3A_332] : memref<8192xf32, #tpu.memory_space<vmem>> -> memref<1024xf32, #tpu.memory_space<vmem>>
        %dma_start3A_334 = arith.constant 0 : i32
        %dma_start3A_335 = tpu.memref_slice %arg5[%scan3A_209, %dma_start3A_331, %add3A, %dma_start3A_334] : memref<200x8x32x1024xf32, #tpu.memory_space<hbm>> -> memref<1x1x1x1024xf32, #tpu.memory_space<hbm>>
        %dma_start3A_336 = tpu.memref_squeeze %dma_start3A_335 : memref<1x1x1x1024xf32, #tpu.memory_space<hbm>> -> memref<1024xf32, #tpu.memory_space<hbm>>
        %dma_start3A_337 = arith.constant 0 : i32
        %dma_start3A_338 = tpu.memref_slice %arg5[%scan3A_209, %dma_start3A_331, %add3A, %dma_start3A_337] : memref<200x8x32x1024xf32, #tpu.memory_space<hbm>> -> memref<1x1x1x1024xf32, #tpu.memory_space<hbm>>
        %dma_start3A_339 = tpu.memref_squeeze %dma_start3A_338 : memref<1x1x1x1024xf32, #tpu.memory_space<hbm>> -> memref<1024xf32, #tpu.memory_space<hbm>>
        %dma_start3A_340 = arith.constant 7168 : i32
        %dma_start3A_341 = tpu.memref_slice %arg12[%dma_start3A_340] : memref<8192xf32, #tpu.memory_space<vmem>> -> memref<1024xf32, #tpu.memory_space<vmem>>
        tpu.enqueue_dma source(%dma_start3A_341 : memref<1024xf32, #tpu.memory_space<vmem>>) target(%dma_start3A_339 : memref<1024xf32, #tpu.memory_space<hbm>>) target_semaphore(%arg16 : memref<!tpu.dma_semaphore, #tpu.memory_space<semaphore_mem>>)
      } else {
      }
      %eq3A_213 = arith.constant 1 : i32
      %eq3A_214 = arith.cmpi eq, %rem3A_210, %eq3A_213 : i32
      %convert_element_type3A_215 = arith.extui %eq3A_214 : i1 to i32
      %cond3A_216 = arith.constant 0 : i32
      %cond3A_217 = arith.cmpi ne, %convert_element_type3A_215, %cond3A_216 : i32
      scf.if %cond3A_217 {
        %add3A_218 = arith.constant 1 : i32
        %add3A_219 = arith.addi %scan3A_209, %add3A_218 : i32
        %lt3A = arith.constant 200 : i32
        %lt3A_220 = arith.cmpi slt, %add3A_219, %lt3A : i32
        %convert_element_type3A_221 = arith.extui %lt3A_220 : i1 to i32
        %cond3A_222 = arith.constant 0 : i32
        %cond3A_223 = arith.cmpi ne, %convert_element_type3A_221, %cond3A_222 : i32
        scf.if %cond3A_223 {
          %add3A_342 = arith.constant 1 : i32
          %add3A_343 = arith.addi %scan3A_209, %add3A_342 : i32
          %shift_right_logical3A_344 = arith.constant 3 : i32
          %shift_right_logical3A_345 = arith.shrui %add3A_343, %shift_right_logical3A_344 : i32
          %and3A_346 = arith.constant 7 : i32
          %and3A_347 = arith.andi %add3A_343, %and3A_346 : i32
          %dma_start3A_348 = arith.constant 0 : i32
          %dma_start3A_349 = tpu.memref_slice %arg6[%shift_right_logical3A_345, %and3A_347, %dma_start3A_348] : memref<25x8x128xi32, #tpu.memory_space<vmem>> -> memref<1x1x128xi32, #tpu.memory_space<vmem>>
          %dma_start3A_350 = tpu.memref_squeeze %dma_start3A_349 : memref<1x1x128xi32, #tpu.memory_space<vmem>> -> memref<128xi32, #tpu.memory_space<vmem>>
          %dma_start3A_351 = arith.constant 0 : i32
          %dma_start3A_352 = arith.constant 0 : i32
          %dma_start3A_353 = tpu.memref_slice %arg3[%dma_start3A_351, %dma_start3A_352] : memref<1000000x64xf32, #tpu.memory_space<hbm>> -> memref<1000000x64xf32, #tpu.memory_space<hbm>>
          tpu.enqueue_indirect_dma source(%dma_start3A_353 : memref<1000000x64xf32, #tpu.memory_space<hbm>>) target(%arg8 : memref<128x64xf32, #tpu.memory_space<vmem>>) offsets(%dma_start3A_350 : memref<128xi32, #tpu.memory_space<vmem>>) semaphore(%arg14 : memref<!tpu.dma_semaphore, #tpu.memory_space<semaphore_mem>>)
        } else {
        }
        %shift_right_logical3A_224 = arith.constant 3 : i32
        %shift_right_logical3A_225 = arith.shrui %scan3A_209, %shift_right_logical3A_224 : i32
        %and3A_226 = arith.constant 7 : i32
        %and3A_227 = arith.andi %scan3A_209, %and3A_226 : i32
        %dma_wait3A_228 = arith.constant 0 : i32
        %dma_wait3A_229 = tpu.memref_slice %arg6[%shift_right_logical3A_225, %and3A_227, %dma_wait3A_228] : memref<25x8x128xi32, #tpu.memory_space<vmem>> -> memref<1x1x128xi32, #tpu.memory_space<vmem>>
        %dma_wait3A_230 = tpu.memref_squeeze %dma_wait3A_229 : memref<1x1x128xi32, #tpu.memory_space<vmem>> -> memref<128xi32, #tpu.memory_space<vmem>>
        %dma_wait3A_231 = arith.constant 0 : i32
        %dma_wait3A_232 = arith.constant 0 : i32
        %dma_wait3A_233 = tpu.memref_slice %arg3[%dma_wait3A_231, %dma_wait3A_232] : memref<1000000x64xf32, #tpu.memory_space<hbm>> -> memref<1000000x64xf32, #tpu.memory_space<hbm>>
        tpu.wait_indirect_dma semaphore(%arg15 : memref<!tpu.dma_semaphore, #tpu.memory_space<semaphore_mem>>) src(%dma_wait3A_233 : memref<1000000x64xf32, #tpu.memory_space<hbm>>) dst(%arg9 : memref<128x64xf32, #tpu.memory_space<vmem>>)
        %get3A = arith.index_cast %scan3A_209 : i32 to index
        %get3A_234 = arith.constant 0 : index
        %get3A_235 = tpu.vector_load %arg7[%get3A, %get3A_234] {strides = array<i32>} : memref<200x64xf32, #tpu.memory_space<vmem>>, vector<16xf32>,
        %get3A_236 = arith.index_cast %scan3A_209 : i32 to index
        %get3A_237 = arith.constant 16 : index
        %get3A_238 = tpu.vector_load %arg7[%get3A_236, %get3A_237] {strides = array<i32>} : memref<200x64xf32, #tpu.memory_space<vmem>>, vector<16xf32>,
        %get3A_239 = arith.index_cast %scan3A_209 : i32 to index
        %get3A_240 = arith.constant 32 : index
        %get3A_241 = tpu.vector_load %arg7[%get3A_239, %get3A_240] {strides = array<i32>} : memref<200x64xf32, #tpu.memory_space<vmem>>, vector<16xf32>,
        %get3A_242 = arith.index_cast %scan3A_209 : i32 to index
        %get3A_243 = arith.constant 48 : index
        %get3A_244 = tpu.vector_load %arg7[%get3A_242, %get3A_243] {strides = array<i32>} : memref<200x64xf32, #tpu.memory_space<vmem>>, vector<16xf32>,
        %parallel_loop3A = arith.constant 0 : i32
        %parallel_loop3A_245 = arith.constant 128 : i32
        %parallel_loop3A_246 = arith.constant 1 : i32
        scf.for %parallel_loop3A_342 = %parallel_loop3A to %parallel_loop3A_245 step %parallel_loop3A_246  : i32 {
          %parallel_loop3A_343 = arith.index_cast %parallel_loop3A_342 : i32 to index
          %parallel_loop3A_344 = arith.constant 0 : index
          %parallel_loop3A_345 = tpu.vector_load %arg9[%parallel_loop3A_343, %parallel_loop3A_344] {strides = array<i32>} : memref<128x64xf32, #tpu.memory_space<vmem>>, vector<16xf32>,
          %parallel_loop3A_346 = arith.addf %parallel_loop3A_345, %get3A_235 : vector<16xf32>
          %parallel_loop3A_347 = arith.constant 65 : i32
          %parallel_loop3A_348 = arith.muli %parallel_loop3A_342, %parallel_loop3A_347 : i32
          %parallel_loop3A_349 = arith.constant 0 : i32
          %parallel_loop3A_350 = arith.addi %parallel_loop3A_348, %parallel_loop3A_349 : i32
          %parallel_loop3A_351 = arith.index_cast %parallel_loop3A_350 : i32 to index
          %parallel_loop3A_352 = tpu.vector_load %arg11[%parallel_loop3A_351] {strides = array<i32>} : memref<8320xf32, #tpu.memory_space<vmem>>, vector<16xf32>,
          tpu.vector_store %arg11[%parallel_loop3A_351], %parallel_loop3A_346 {strides = array<i32>} : memref<8320xf32, #tpu.memory_space<vmem>>, vector<16xf32>,
          %parallel_loop3A_353 = arith.index_cast %parallel_loop3A_342 : i32 to index
          %parallel_loop3A_354 = arith.constant 16 : index
          %parallel_loop3A_355 = tpu.vector_load %arg9[%parallel_loop3A_353, %parallel_loop3A_354] {strides = array<i32>} : memref<128x64xf32, #tpu.memory_space<vmem>>, vector<16xf32>,
          %parallel_loop3A_356 = arith.addf %parallel_loop3A_355, %get3A_238 : vector<16xf32>
          %parallel_loop3A_357 = arith.constant 65 : i32
          %parallel_loop3A_358 = arith.muli %parallel_loop3A_342, %parallel_loop3A_357 : i32
          %parallel_loop3A_359 = arith.constant 16 : i32
          %parallel_loop3A_360 = arith.addi %parallel_loop3A_358, %parallel_loop3A_359 : i32
          %parallel_loop3A_361 = arith.index_cast %parallel_loop3A_360 : i32 to index
          %parallel_loop3A_362 = tpu.vector_load %arg11[%parallel_loop3A_361] {strides = array<i32>} : memref<8320xf32, #tpu.memory_space<vmem>>, vector<16xf32>,
          tpu.vector_store %arg11[%parallel_loop3A_361], %parallel_loop3A_356 {strides = array<i32>} : memref<8320xf32, #tpu.memory_space<vmem>>, vector<16xf32>,
          %parallel_loop3A_363 = arith.index_cast %parallel_loop3A_342 : i32 to index
          %parallel_loop3A_364 = arith.constant 32 : index
          %parallel_loop3A_365 = tpu.vector_load %arg9[%parallel_loop3A_363, %parallel_loop3A_364] {strides = array<i32>} : memref<128x64xf32, #tpu.memory_space<vmem>>, vector<16xf32>,
          %parallel_loop3A_366 = arith.addf %parallel_loop3A_365, %get3A_241 : vector<16xf32>
          %parallel_loop3A_367 = arith.constant 65 : i32
          %parallel_loop3A_368 = arith.muli %parallel_loop3A_342, %parallel_loop3A_367 : i32
          %parallel_loop3A_369 = arith.constant 32 : i32
          %parallel_loop3A_370 = arith.addi %parallel_loop3A_368, %parallel_loop3A_369 : i32
          %parallel_loop3A_371 = arith.index_cast %parallel_loop3A_370 : i32 to index
          %parallel_loop3A_372 = tpu.vector_load %arg11[%parallel_loop3A_371] {strides = array<i32>} : memref<8320xf32, #tpu.memory_space<vmem>>, vector<16xf32>,
          tpu.vector_store %arg11[%parallel_loop3A_371], %parallel_loop3A_366 {strides = array<i32>} : memref<8320xf32, #tpu.memory_space<vmem>>, vector<16xf32>,
          %parallel_loop3A_373 = arith.index_cast %parallel_loop3A_342 : i32 to index
          %parallel_loop3A_374 = arith.constant 48 : index
          %parallel_loop3A_375 = tpu.vector_load %arg9[%parallel_loop3A_373, %parallel_loop3A_374] {strides = array<i32>} : memref<128x64xf32, #tpu.memory_space<vmem>>, vector<16xf32>,
          %parallel_loop3A_376 = arith.addf %parallel_loop3A_375, %get3A_244 : vector<16xf32>
          %parallel_loop3A_377 = arith.constant 65 : i32
          %parallel_loop3A_378 = arith.muli %parallel_loop3A_342, %parallel_loop3A_377 : i32
          %parallel_loop3A_379 = arith.constant 48 : i32
          %parallel_loop3A_380 = arith.addi %parallel_loop3A_378, %parallel_loop3A_379 : i32
          %parallel_loop3A_381 = arith.index_cast %parallel_loop3A_380 : i32 to index
          %parallel_loop3A_382 = tpu.vector_load %arg11[%parallel_loop3A_381] {strides = array<i32>} : memref<8320xf32, #tpu.memory_space<vmem>>, vector<16xf32>,
          tpu.vector_store %arg11[%parallel_loop3A_381], %parallel_loop3A_376 {strides = array<i32>} : memref<8320xf32, #tpu.memory_space<vmem>>, vector<16xf32>,
        } {sc.loop_unroll_factor = 8 : i64, sc.parallel_access}
        %ge3A = arith.constant 2 : i32
        %ge3A_247 = arith.cmpi sge, %scan3A_209, %ge3A : i32
        %convert_element_type3A_248 = arith.extui %ge3A_247 : i1 to i32
        %cond3A_249 = arith.constant 0 : i32
        %cond3A_250 = arith.cmpi ne, %convert_element_type3A_248, %cond3A_249 : i32
        scf.if %cond3A_250 {
          %sub3A = arith.constant 2 : i32
          %sub3A_342 = arith.subi %scan3A_209, %sub3A : i32
          %dma_wait3A_343 = arith.constant 0 : i32
          %dma_wait3A_344 = arith.constant 0 : i32
          %dma_wait3A_345 = tpu.memref_slice %arg13[%dma_wait3A_344] : memref<8192xf32, #tpu.memory_space<vmem>> -> memref<1024xf32, #tpu.memory_space<vmem>>
          %dma_wait3A_346 = arith.constant 0 : i32
          %dma_wait3A_347 = tpu.memref_slice %arg5[%sub3A_342, %dma_wait3A_343, %add3A, %dma_wait3A_346] : memref<200x8x32x1024xf32, #tpu.memory_space<hbm>> -> memref<1x1x1x1024xf32, #tpu.memory_space<hbm>>
          %dma_wait3A_348 = tpu.memref_squeeze %dma_wait3A_347 : memref<1x1x1x1024xf32, #tpu.memory_space<hbm>> -> memref<1024xf32, #tpu.memory_space<hbm>>
          %dma_wait3A_349 = arith.constant 0 : i32
          %dma_wait3A_350 = tpu.memref_slice %arg5[%sub3A_342, %dma_wait3A_343, %add3A, %dma_wait3A_349] : memref<200x8x32x1024xf32, #tpu.memory_space<hbm>> -> memref<1x1x1x1024xf32, #tpu.memory_space<hbm>>
          %dma_wait3A_351 = tpu.memref_squeeze %dma_wait3A_350 : memref<1x1x1x1024xf32, #tpu.memory_space<hbm>> -> memref<1024xf32, #tpu.memory_space<hbm>>
          %dma_wait3A_352 = arith.constant 0 : i32
          %dma_wait3A_353 = tpu.memref_slice %arg13[%dma_wait3A_352] : memref<8192xf32, #tpu.memory_space<vmem>> -> memref<1024xf32, #tpu.memory_space<vmem>>
          tpu.wait_dma2 semaphore(%arg17 : memref<!tpu.dma_semaphore, #tpu.memory_space<semaphore_mem>>) src(%dma_wait3A_353 : memref<1024xf32, #tpu.memory_space<vmem>>) dst(%dma_wait3A_351 : memref<1024xf32, #tpu.memory_space<hbm>>)
          %sub3A_354 = arith.constant 2 : i32
          %sub3A_355 = arith.subi %scan3A_209, %sub3A_354 : i32
          %dma_wait3A_356 = arith.constant 1 : i32
          %dma_wait3A_357 = arith.constant 1024 : i32
          %dma_wait3A_358 = tpu.memref_slice %arg13[%dma_wait3A_357] : memref<8192xf32, #tpu.memory_space<vmem>> -> memref<1024xf32, #tpu.memory_space<vmem>>
          %dma_wait3A_359 = arith.constant 0 : i32
          %dma_wait3A_360 = tpu.memref_slice %arg5[%sub3A_355, %dma_wait3A_356, %add3A, %dma_wait3A_359] : memref<200x8x32x1024xf32, #tpu.memory_space<hbm>> -> memref<1x1x1x1024xf32, #tpu.memory_space<hbm>>
          %dma_wait3A_361 = tpu.memref_squeeze %dma_wait3A_360 : memref<1x1x1x1024xf32, #tpu.memory_space<hbm>> -> memref<1024xf32, #tpu.memory_space<hbm>>
          %dma_wait3A_362 = arith.constant 0 : i32
          %dma_wait3A_363 = tpu.memref_slice %arg5[%sub3A_355, %dma_wait3A_356, %add3A, %dma_wait3A_362] : memref<200x8x32x1024xf32, #tpu.memory_space<hbm>> -> memref<1x1x1x1024xf32, #tpu.memory_space<hbm>>
          %dma_wait3A_364 = tpu.memref_squeeze %dma_wait3A_363 : memref<1x1x1x1024xf32, #tpu.memory_space<hbm>> -> memref<1024xf32, #tpu.memory_space<hbm>>
          %dma_wait3A_365 = arith.constant 1024 : i32
          %dma_wait3A_366 = tpu.memref_slice %arg13[%dma_wait3A_365] : memref<8192xf32, #tpu.memory_space<vmem>> -> memref<1024xf32, #tpu.memory_space<vmem>>
          tpu.wait_dma2 semaphore(%arg17 : memref<!tpu.dma_semaphore, #tpu.memory_space<semaphore_mem>>) src(%dma_wait3A_366 : memref<1024xf32, #tpu.memory_space<vmem>>) dst(%dma_wait3A_364 : memref<1024xf32, #tpu.memory_space<hbm>>)
          %sub3A_367 = arith.constant 2 : i32
          %sub3A_368 = arith.subi %scan3A_209, %sub3A_367 : i32
          %dma_wait3A_369 = arith.constant 2 : i32
          %dma_wait3A_370 = arith.constant 2048 : i32
          %dma_wait3A_371 = tpu.memref_slice %arg13[%dma_wait3A_370] : memref<8192xf32, #tpu.memory_space<vmem>> -> memref<1024xf32, #tpu.memory_space<vmem>>
          %dma_wait3A_372 = arith.constant 0 : i32
          %dma_wait3A_373 = tpu.memref_slice %arg5[%sub3A_368, %dma_wait3A_369, %add3A, %dma_wait3A_372] : memref<200x8x32x1024xf32, #tpu.memory_space<hbm>> -> memref<1x1x1x1024xf32, #tpu.memory_space<hbm>>
          %dma_wait3A_374 = tpu.memref_squeeze %dma_wait3A_373 : memref<1x1x1x1024xf32, #tpu.memory_space<hbm>> -> memref<1024xf32, #tpu.memory_space<hbm>>
          %dma_wait3A_375 = arith.constant 0 : i32
          %dma_wait3A_376 = tpu.memref_slice %arg5[%sub3A_368, %dma_wait3A_369, %add3A, %dma_wait3A_375] : memref<200x8x32x1024xf32, #tpu.memory_space<hbm>> -> memref<1x1x1x1024xf32, #tpu.memory_space<hbm>>
          %dma_wait3A_377 = tpu.memref_squeeze %dma_wait3A_376 : memref<1x1x1x1024xf32, #tpu.memory_space<hbm>> -> memref<1024xf32, #tpu.memory_space<hbm>>
          %dma_wait3A_378 = arith.constant 2048 : i32
          %dma_wait3A_379 = tpu.memref_slice %arg13[%dma_wait3A_378] : memref<8192xf32, #tpu.memory_space<vmem>> -> memref<1024xf32, #tpu.memory_space<vmem>>
          tpu.wait_dma2 semaphore(%arg17 : memref<!tpu.dma_semaphore, #tpu.memory_space<semaphore_mem>>) src(%dma_wait3A_379 : memref<1024xf32, #tpu.memory_space<vmem>>) dst(%dma_wait3A_377 : memref<1024xf32, #tpu.memory_space<hbm>>)
          %sub3A_380 = arith.constant 2 : i32
          %sub3A_381 = arith.subi %scan3A_209, %sub3A_380 : i32
          %dma_wait3A_382 = arith.constant 3 : i32
          %dma_wait3A_383 = arith.constant 3072 : i32
          %dma_wait3A_384 = tpu.memref_slice %arg13[%dma_wait3A_383] : memref<8192xf32, #tpu.memory_space<vmem>> -> memref<1024xf32, #tpu.memory_space<vmem>>
          %dma_wait3A_385 = arith.constant 0 : i32
          %dma_wait3A_386 = tpu.memref_slice %arg5[%sub3A_381, %dma_wait3A_382, %add3A, %dma_wait3A_385] : memref<200x8x32x1024xf32, #tpu.memory_space<hbm>> -> memref<1x1x1x1024xf32, #tpu.memory_space<hbm>>
          %dma_wait3A_387 = tpu.memref_squeeze %dma_wait3A_386 : memref<1x1x1x1024xf32, #tpu.memory_space<hbm>> -> memref<1024xf32, #tpu.memory_space<hbm>>
          %dma_wait3A_388 = arith.constant 0 : i32
          %dma_wait3A_389 = tpu.memref_slice %arg5[%sub3A_381, %dma_wait3A_382, %add3A, %dma_wait3A_388] : memref<200x8x32x1024xf32, #tpu.memory_space<hbm>> -> memref<1x1x1x1024xf32, #tpu.memory_space<hbm>>
          %dma_wait3A_390 = tpu.memref_squeeze %dma_wait3A_389 : memref<1x1x1x1024xf32, #tpu.memory_space<hbm>> -> memref<1024xf32, #tpu.memory_space<hbm>>
          %dma_wait3A_391 = arith.constant 3072 : i32
          %dma_wait3A_392 = tpu.memref_slice %arg13[%dma_wait3A_391] : memref<8192xf32, #tpu.memory_space<vmem>> -> memref<1024xf32, #tpu.memory_space<vmem>>
          tpu.wait_dma2 semaphore(%arg17 : memref<!tpu.dma_semaphore, #tpu.memory_space<semaphore_mem>>) src(%dma_wait3A_392 : memref<1024xf32, #tpu.memory_space<vmem>>) dst(%dma_wait3A_390 : memref<1024xf32, #tpu.memory_space<hbm>>)
          %sub3A_393 = arith.constant 2 : i32
          %sub3A_394 = arith.subi %scan3A_209, %sub3A_393 : i32
          %dma_wait3A_395 = arith.constant 4 : i32
          %dma_wait3A_396 = arith.constant 4096 : i32
          %dma_wait3A_397 = tpu.memref_slice %arg13[%dma_wait3A_396] : memref<8192xf32, #tpu.memory_space<vmem>> -> memref<1024xf32, #tpu.memory_space<vmem>>
          %dma_wait3A_398 = arith.constant 0 : i32
          %dma_wait3A_399 = tpu.memref_slice %arg5[%sub3A_394, %dma_wait3A_395, %add3A, %dma_wait3A_398] : memref<200x8x32x1024xf32, #tpu.memory_space<hbm>> -> memref<1x1x1x1024xf32, #tpu.memory_space<hbm>>
          %dma_wait3A_400 = tpu.memref_squeeze %dma_wait3A_399 : memref<1x1x1x1024xf32, #tpu.memory_space<hbm>> -> memref<1024xf32, #tpu.memory_space<hbm>>
          %dma_wait3A_401 = arith.constant 0 : i32
          %dma_wait3A_402 = tpu.memref_slice %arg5[%sub3A_394, %dma_wait3A_395, %add3A, %dma_wait3A_401] : memref<200x8x32x1024xf32, #tpu.memory_space<hbm>> -> memref<1x1x1x1024xf32, #tpu.memory_space<hbm>>
          %dma_wait3A_403 = tpu.memref_squeeze %dma_wait3A_402 : memref<1x1x1x1024xf32, #tpu.memory_space<hbm>> -> memref<1024xf32, #tpu.memory_space<hbm>>
          %dma_wait3A_404 = arith.constant 4096 : i32
          %dma_wait3A_405 = tpu.memref_slice %arg13[%dma_wait3A_404] : memref<8192xf32, #tpu.memory_space<vmem>> -> memref<1024xf32, #tpu.memory_space<vmem>>
          tpu.wait_dma2 semaphore(%arg17 : memref<!tpu.dma_semaphore, #tpu.memory_space<semaphore_mem>>) src(%dma_wait3A_405 : memref<1024xf32, #tpu.memory_space<vmem>>) dst(%dma_wait3A_403 : memref<1024xf32, #tpu.memory_space<hbm>>)
          %sub3A_406 = arith.constant 2 : i32
          %sub3A_407 = arith.subi %scan3A_209, %sub3A_406 : i32
          %dma_wait3A_408 = arith.constant 5 : i32
          %dma_wait3A_409 = arith.constant 5120 : i32
          %dma_wait3A_410 = tpu.memref_slice %arg13[%dma_wait3A_409] : memref<8192xf32, #tpu.memory_space<vmem>> -> memref<1024xf32, #tpu.memory_space<vmem>>
          %dma_wait3A_411 = arith.constant 0 : i32
          %dma_wait3A_412 = tpu.memref_slice %arg5[%sub3A_407, %dma_wait3A_408, %add3A, %dma_wait3A_411] : memref<200x8x32x1024xf32, #tpu.memory_space<hbm>> -> memref<1x1x1x1024xf32, #tpu.memory_space<hbm>>
          %dma_wait3A_413 = tpu.memref_squeeze %dma_wait3A_412 : memref<1x1x1x1024xf32, #tpu.memory_space<hbm>> -> memref<1024xf32, #tpu.memory_space<hbm>>
          %dma_wait3A_414 = arith.constant 0 : i32
          %dma_wait3A_415 = tpu.memref_slice %arg5[%sub3A_407, %dma_wait3A_408, %add3A, %dma_wait3A_414] : memref<200x8x32x1024xf32, #tpu.memory_space<hbm>> -> memref<1x1x1x1024xf32, #tpu.memory_space<hbm>>
          %dma_wait3A_416 = tpu.memref_squeeze %dma_wait3A_415 : memref<1x1x1x1024xf32, #tpu.memory_space<hbm>> -> memref<1024xf32, #tpu.memory_space<hbm>>
          %dma_wait3A_417 = arith.constant 5120 : i32
          %dma_wait3A_418 = tpu.memref_slice %arg13[%dma_wait3A_417] : memref<8192xf32, #tpu.memory_space<vmem>> -> memref<1024xf32, #tpu.memory_space<vmem>>
          tpu.wait_dma2 semaphore(%arg17 : memref<!tpu.dma_semaphore, #tpu.memory_space<semaphore_mem>>) src(%dma_wait3A_418 : memref<1024xf32, #tpu.memory_space<vmem>>) dst(%dma_wait3A_416 : memref<1024xf32, #tpu.memory_space<hbm>>)
          %sub3A_419 = arith.constant 2 : i32
          %sub3A_420 = arith.subi %scan3A_209, %sub3A_419 : i32
          %dma_wait3A_421 = arith.constant 6 : i32
          %dma_wait3A_422 = arith.constant 6144 : i32
          %dma_wait3A_423 = tpu.memref_slice %arg13[%dma_wait3A_422] : memref<8192xf32, #tpu.memory_space<vmem>> -> memref<1024xf32, #tpu.memory_space<vmem>>
          %dma_wait3A_424 = arith.constant 0 : i32
          %dma_wait3A_425 = tpu.memref_slice %arg5[%sub3A_420, %dma_wait3A_421, %add3A, %dma_wait3A_424] : memref<200x8x32x1024xf32, #tpu.memory_space<hbm>> -> memref<1x1x1x1024xf32, #tpu.memory_space<hbm>>
          %dma_wait3A_426 = tpu.memref_squeeze %dma_wait3A_425 : memref<1x1x1x1024xf32, #tpu.memory_space<hbm>> -> memref<1024xf32, #tpu.memory_space<hbm>>
          %dma_wait3A_427 = arith.constant 0 : i32
          %dma_wait3A_428 = tpu.memref_slice %arg5[%sub3A_420, %dma_wait3A_421, %add3A, %dma_wait3A_427] : memref<200x8x32x1024xf32, #tpu.memory_space<hbm>> -> memref<1x1x1x1024xf32, #tpu.memory_space<hbm>>
          %dma_wait3A_429 = tpu.memref_squeeze %dma_wait3A_428 : memref<1x1x1x1024xf32, #tpu.memory_space<hbm>> -> memref<1024xf32, #tpu.memory_space<hbm>>
          %dma_wait3A_430 = arith.constant 6144 : i32
          %dma_wait3A_431 = tpu.memref_slice %arg13[%dma_wait3A_430] : memref<8192xf32, #tpu.memory_space<vmem>> -> memref<1024xf32, #tpu.memory_space<vmem>>
          tpu.wait_dma2 semaphore(%arg17 : memref<!tpu.dma_semaphore, #tpu.memory_space<semaphore_mem>>) src(%dma_wait3A_431 : memref<1024xf32, #tpu.memory_space<vmem>>) dst(%dma_wait3A_429 : memref<1024xf32, #tpu.memory_space<hbm>>)
          %sub3A_432 = arith.constant 2 : i32
          %sub3A_433 = arith.subi %scan3A_209, %sub3A_432 : i32
          %dma_wait3A_434 = arith.constant 7 : i32
          %dma_wait3A_435 = arith.constant 7168 : i32
          %dma_wait3A_436 = tpu.memref_slice %arg13[%dma_wait3A_435] : memref<8192xf32, #tpu.memory_space<vmem>> -> memref<1024xf32, #tpu.memory_space<vmem>>
          %dma_wait3A_437 = arith.constant 0 : i32
          %dma_wait3A_438 = tpu.memref_slice %arg5[%sub3A_433, %dma_wait3A_434, %add3A, %dma_wait3A_437] : memref<200x8x32x1024xf32, #tpu.memory_space<hbm>> -> memref<1x1x1x1024xf32, #tpu.memory_space<hbm>>
          %dma_wait3A_439 = tpu.memref_squeeze %dma_wait3A_438 : memref<1x1x1x1024xf32, #tpu.memory_space<hbm>> -> memref<1024xf32, #tpu.memory_space<hbm>>
          %dma_wait3A_440 = arith.constant 0 : i32
          %dma_wait3A_441 = tpu.memref_slice %arg5[%sub3A_433, %dma_wait3A_434, %add3A, %dma_wait3A_440] : memref<200x8x32x1024xf32, #tpu.memory_space<hbm>> -> memref<1x1x1x1024xf32, #tpu.memory_space<hbm>>
          %dma_wait3A_442 = tpu.memref_squeeze %dma_wait3A_441 : memref<1x1x1x1024xf32, #tpu.memory_space<hbm>> -> memref<1024xf32, #tpu.memory_space<hbm>>
          %dma_wait3A_443 = arith.constant 7168 : i32
          %dma_wait3A_444 = tpu.memref_slice %arg13[%dma_wait3A_443] : memref<8192xf32, #tpu.memory_space<vmem>> -> memref<1024xf32, #tpu.memory_space<vmem>>
          tpu.wait_dma2 semaphore(%arg17 : memref<!tpu.dma_semaphore, #tpu.memory_space<semaphore_mem>>) src(%dma_wait3A_444 : memref<1024xf32, #tpu.memory_space<vmem>>) dst(%dma_wait3A_442 : memref<1024xf32, #tpu.memory_space<hbm>>)
        } else {
        }
        %parallel_loop3A_251 = arith.constant 0 : i32
        %parallel_loop3A_252 = arith.constant 512 : i32
        %parallel_loop3A_253 = arith.constant 1 : i32
        scf.for %parallel_loop3A_342 = %parallel_loop3A_251 to %parallel_loop3A_252 step %parallel_loop3A_253  : i32 {
          %parallel_loop3A_343 = arith.constant 6 : i32
          %parallel_loop3A_344 = arith.shrui %parallel_loop3A_342, %parallel_loop3A_343 : i32
          %parallel_loop3A_345 = arith.constant 63 : i32
          %parallel_loop3A_346 = arith.andi %parallel_loop3A_342, %parallel_loop3A_345 : i32
          %parallel_loop3A_347 = arith.constant 1040 : i32
          %parallel_loop3A_348 = arith.muli %parallel_loop3A_344, %parallel_loop3A_347 : i32
          %parallel_loop3A_349 = arith.addi %parallel_loop3A_348, %parallel_loop3A_346 : i32
          %parallel_loop3A_350 = vector.broadcast %parallel_loop3A_349 : i32 to vector<16xi32>
          %parallel_loop3A_351 = arith.addi %mul3A_3, %parallel_loop3A_350 : vector<16xi32>
          %parallel_loop3A_352 = tpu.vector_load_idx %arg11[%parallel_loop3A_351] : memref<8320xf32, #tpu.memory_space<vmem>>[vector<16xi32>], vector<16xf32>,
          %parallel_loop3A_353 = arith.constant 128 : i32
          %parallel_loop3A_354 = arith.muli %parallel_loop3A_346, %parallel_loop3A_353 : i32
          %parallel_loop3A_355 = arith.constant 16 : i32
          %parallel_loop3A_356 = arith.muli %parallel_loop3A_344, %parallel_loop3A_355 : i32
          %parallel_loop3A_357 = arith.addi %parallel_loop3A_354, %parallel_loop3A_356 : i32
          %parallel_loop3A_358 = arith.index_cast %parallel_loop3A_357 : i32 to index
          %parallel_loop3A_359 = tpu.vector_load %arg13[%parallel_loop3A_358] {strides = array<i32>} : memref<8192xf32, #tpu.memory_space<vmem>>, vector<16xf32>,
          tpu.vector_store %arg13[%parallel_loop3A_358], %parallel_loop3A_352 {strides = array<i32>} : memref<8192xf32, #tpu.memory_space<vmem>>, vector<16xf32>,
        } {sc.loop_unroll_factor = 16 : i64, sc.parallel_access}
        %dma_start3A_254 = arith.constant 0 : i32
        %dma_start3A_255 = arith.constant 0 : i32
        %dma_start3A_256 = tpu.memref_slice %arg13[%dma_start3A_255] : memref<8192xf32, #tpu.memory_space<vmem>> -> memref<1024xf32, #tpu.memory_space<vmem>>
        %dma_start3A_257 = arith.constant 0 : i32
        %dma_start3A_258 = tpu.memref_slice %arg5[%scan3A_209, %dma_start3A_254, %add3A, %dma_start3A_257] : memref<200x8x32x1024xf32, #tpu.memory_space<hbm>> -> memref<1x1x1x1024xf32, #tpu.memory_space<hbm>>
        %dma_start3A_259 = tpu.memref_squeeze %dma_start3A_258 : memref<1x1x1x1024xf32, #tpu.memory_space<hbm>> -> memref<1024xf32, #tpu.memory_space<hbm>>
        %dma_start3A_260 = arith.constant 0 : i32
        %dma_start3A_261 = tpu.memref_slice %arg5[%scan3A_209, %dma_start3A_254, %add3A, %dma_start3A_260] : memref<200x8x32x1024xf32, #tpu.memory_space<hbm>> -> memref<1x1x1x1024xf32, #tpu.memory_space<hbm>>
        %dma_start3A_262 = tpu.memref_squeeze %dma_start3A_261 : memref<1x1x1x1024xf32, #tpu.memory_space<hbm>> -> memref<1024xf32, #tpu.memory_space<hbm>>
        %dma_start3A_263 = arith.constant 0 : i32
        %dma_start3A_264 = tpu.memref_slice %arg13[%dma_start3A_263] : memref<8192xf32, #tpu.memory_space<vmem>> -> memref<1024xf32, #tpu.memory_space<vmem>>
        tpu.enqueue_dma source(%dma_start3A_264 : memref<1024xf32, #tpu.memory_space<vmem>>) target(%dma_start3A_262 : memref<1024xf32, #tpu.memory_space<hbm>>) target_semaphore(%arg17 : memref<!tpu.dma_semaphore, #tpu.memory_space<semaphore_mem>>)
        %dma_start3A_265 = arith.constant 1 : i32
        %dma_start3A_266 = arith.constant 1024 : i32
        %dma_start3A_267 = tpu.memref_slice %arg13[%dma_start3A_266] : memref<8192xf32, #tpu.memory_space<vmem>> -> memref<1024xf32, #tpu.memory_space<vmem>>
        %dma_start3A_268 = arith.constant 0 : i32
        %dma_start3A_269 = tpu.memref_slice %arg5[%scan3A_209, %dma_start3A_265, %add3A, %dma_start3A_268] : memref<200x8x32x1024xf32, #tpu.memory_space<hbm>> -> memref<1x1x1x1024xf32, #tpu.memory_space<hbm>>
        %dma_start3A_270 = tpu.memref_squeeze %dma_start3A_269 : memref<1x1x1x1024xf32, #tpu.memory_space<hbm>> -> memref<1024xf32, #tpu.memory_space<hbm>>
        %dma_start3A_271 = arith.constant 0 : i32
        %dma_start3A_272 = tpu.memref_slice %arg5[%scan3A_209, %dma_start3A_265, %add3A, %dma_start3A_271] : memref<200x8x32x1024xf32, #tpu.memory_space<hbm>> -> memref<1x1x1x1024xf32, #tpu.memory_space<hbm>>
        %dma_start3A_273 = tpu.memref_squeeze %dma_start3A_272 : memref<1x1x1x1024xf32, #tpu.memory_space<hbm>> -> memref<1024xf32, #tpu.memory_space<hbm>>
        %dma_start3A_274 = arith.constant 1024 : i32
        %dma_start3A_275 = tpu.memref_slice %arg13[%dma_start3A_274] : memref<8192xf32, #tpu.memory_space<vmem>> -> memref<1024xf32, #tpu.memory_space<vmem>>
        tpu.enqueue_dma source(%dma_start3A_275 : memref<1024xf32, #tpu.memory_space<vmem>>) target(%dma_start3A_273 : memref<1024xf32, #tpu.memory_space<hbm>>) target_semaphore(%arg17 : memref<!tpu.dma_semaphore, #tpu.memory_space<semaphore_mem>>)
        %dma_start3A_276 = arith.constant 2 : i32
        %dma_start3A_277 = arith.constant 2048 : i32
        %dma_start3A_278 = tpu.memref_slice %arg13[%dma_start3A_277] : memref<8192xf32, #tpu.memory_space<vmem>> -> memref<1024xf32, #tpu.memory_space<vmem>>
        %dma_start3A_279 = arith.constant 0 : i32
        %dma_start3A_280 = tpu.memref_slice %arg5[%scan3A_209, %dma_start3A_276, %add3A, %dma_start3A_279] : memref<200x8x32x1024xf32, #tpu.memory_space<hbm>> -> memref<1x1x1x1024xf32, #tpu.memory_space<hbm>>
        %dma_start3A_281 = tpu.memref_squeeze %dma_start3A_280 : memref<1x1x1x1024xf32, #tpu.memory_space<hbm>> -> memref<1024xf32, #tpu.memory_space<hbm>>
        %dma_start3A_282 = arith.constant 0 : i32
        %dma_start3A_283 = tpu.memref_slice %arg5[%scan3A_209, %dma_start3A_276, %add3A, %dma_start3A_282] : memref<200x8x32x1024xf32, #tpu.memory_space<hbm>> -> memref<1x1x1x1024xf32, #tpu.memory_space<hbm>>
        %dma_start3A_284 = tpu.memref_squeeze %dma_start3A_283 : memref<1x1x1x1024xf32, #tpu.memory_space<hbm>> -> memref<1024xf32, #tpu.memory_space<hbm>>
        %dma_start3A_285 = arith.constant 2048 : i32
        %dma_start3A_286 = tpu.memref_slice %arg13[%dma_start3A_285] : memref<8192xf32, #tpu.memory_space<vmem>> -> memref<1024xf32, #tpu.memory_space<vmem>>
        tpu.enqueue_dma source(%dma_start3A_286 : memref<1024xf32, #tpu.memory_space<vmem>>) target(%dma_start3A_284 : memref<1024xf32, #tpu.memory_space<hbm>>) target_semaphore(%arg17 : memref<!tpu.dma_semaphore, #tpu.memory_space<semaphore_mem>>)
        %dma_start3A_287 = arith.constant 3 : i32
        %dma_start3A_288 = arith.constant 3072 : i32
        %dma_start3A_289 = tpu.memref_slice %arg13[%dma_start3A_288] : memref<8192xf32, #tpu.memory_space<vmem>> -> memref<1024xf32, #tpu.memory_space<vmem>>
        %dma_start3A_290 = arith.constant 0 : i32
        %dma_start3A_291 = tpu.memref_slice %arg5[%scan3A_209, %dma_start3A_287, %add3A, %dma_start3A_290] : memref<200x8x32x1024xf32, #tpu.memory_space<hbm>> -> memref<1x1x1x1024xf32, #tpu.memory_space<hbm>>
        %dma_start3A_292 = tpu.memref_squeeze %dma_start3A_291 : memref<1x1x1x1024xf32, #tpu.memory_space<hbm>> -> memref<1024xf32, #tpu.memory_space<hbm>>
        %dma_start3A_293 = arith.constant 0 : i32
        %dma_start3A_294 = tpu.memref_slice %arg5[%scan3A_209, %dma_start3A_287, %add3A, %dma_start3A_293] : memref<200x8x32x1024xf32, #tpu.memory_space<hbm>> -> memref<1x1x1x1024xf32, #tpu.memory_space<hbm>>
        %dma_start3A_295 = tpu.memref_squeeze %dma_start3A_294 : memref<1x1x1x1024xf32, #tpu.memory_space<hbm>> -> memref<1024xf32, #tpu.memory_space<hbm>>
        %dma_start3A_296 = arith.constant 3072 : i32
        %dma_start3A_297 = tpu.memref_slice %arg13[%dma_start3A_296] : memref<8192xf32, #tpu.memory_space<vmem>> -> memref<1024xf32, #tpu.memory_space<vmem>>
        tpu.enqueue_dma source(%dma_start3A_297 : memref<1024xf32, #tpu.memory_space<vmem>>) target(%dma_start3A_295 : memref<1024xf32, #tpu.memory_space<hbm>>) target_semaphore(%arg17 : memref<!tpu.dma_semaphore, #tpu.memory_space<semaphore_mem>>)
        %dma_start3A_298 = arith.constant 4 : i32
        %dma_start3A_299 = arith.constant 4096 : i32
        %dma_start3A_300 = tpu.memref_slice %arg13[%dma_start3A_299] : memref<8192xf32, #tpu.memory_space<vmem>> -> memref<1024xf32, #tpu.memory_space<vmem>>
        %dma_start3A_301 = arith.constant 0 : i32
        %dma_start3A_302 = tpu.memref_slice %arg5[%scan3A_209, %dma_start3A_298, %add3A, %dma_start3A_301] : memref<200x8x32x1024xf32, #tpu.memory_space<hbm>> -> memref<1x1x1x1024xf32, #tpu.memory_space<hbm>>
        %dma_start3A_303 = tpu.memref_squeeze %dma_start3A_302 : memref<1x1x1x1024xf32, #tpu.memory_space<hbm>> -> memref<1024xf32, #tpu.memory_space<hbm>>
        %dma_start3A_304 = arith.constant 0 : i32
        %dma_start3A_305 = tpu.memref_slice %arg5[%scan3A_209, %dma_start3A_298, %add3A, %dma_start3A_304] : memref<200x8x32x1024xf32, #tpu.memory_space<hbm>> -> memref<1x1x1x1024xf32, #tpu.memory_space<hbm>>
        %dma_start3A_306 = tpu.memref_squeeze %dma_start3A_305 : memref<1x1x1x1024xf32, #tpu.memory_space<hbm>> -> memref<1024xf32, #tpu.memory_space<hbm>>
        %dma_start3A_307 = arith.constant 4096 : i32
        %dma_start3A_308 = tpu.memref_slice %arg13[%dma_start3A_307] : memref<8192xf32, #tpu.memory_space<vmem>> -> memref<1024xf32, #tpu.memory_space<vmem>>
        tpu.enqueue_dma source(%dma_start3A_308 : memref<1024xf32, #tpu.memory_space<vmem>>) target(%dma_start3A_306 : memref<1024xf32, #tpu.memory_space<hbm>>) target_semaphore(%arg17 : memref<!tpu.dma_semaphore, #tpu.memory_space<semaphore_mem>>)
        %dma_start3A_309 = arith.constant 5 : i32
        %dma_start3A_310 = arith.constant 5120 : i32
        %dma_start3A_311 = tpu.memref_slice %arg13[%dma_start3A_310] : memref<8192xf32, #tpu.memory_space<vmem>> -> memref<1024xf32, #tpu.memory_space<vmem>>
        %dma_start3A_312 = arith.constant 0 : i32
        %dma_start3A_313 = tpu.memref_slice %arg5[%scan3A_209, %dma_start3A_309, %add3A, %dma_start3A_312] : memref<200x8x32x1024xf32, #tpu.memory_space<hbm>> -> memref<1x1x1x1024xf32, #tpu.memory_space<hbm>>
        %dma_start3A_314 = tpu.memref_squeeze %dma_start3A_313 : memref<1x1x1x1024xf32, #tpu.memory_space<hbm>> -> memref<1024xf32, #tpu.memory_space<hbm>>
        %dma_start3A_315 = arith.constant 0 : i32
        %dma_start3A_316 = tpu.memref_slice %arg5[%scan3A_209, %dma_start3A_309, %add3A, %dma_start3A_315] : memref<200x8x32x1024xf32, #tpu.memory_space<hbm>> -> memref<1x1x1x1024xf32, #tpu.memory_space<hbm>>
        %dma_start3A_317 = tpu.memref_squeeze %dma_start3A_316 : memref<1x1x1x1024xf32, #tpu.memory_space<hbm>> -> memref<1024xf32, #tpu.memory_space<hbm>>
        %dma_start3A_318 = arith.constant 5120 : i32
        %dma_start3A_319 = tpu.memref_slice %arg13[%dma_start3A_318] : memref<8192xf32, #tpu.memory_space<vmem>> -> memref<1024xf32, #tpu.memory_space<vmem>>
        tpu.enqueue_dma source(%dma_start3A_319 : memref<1024xf32, #tpu.memory_space<vmem>>) target(%dma_start3A_317 : memref<1024xf32, #tpu.memory_space<hbm>>) target_semaphore(%arg17 : memref<!tpu.dma_semaphore, #tpu.memory_space<semaphore_mem>>)
        %dma_start3A_320 = arith.constant 6 : i32
        %dma_start3A_321 = arith.constant 6144 : i32
        %dma_start3A_322 = tpu.memref_slice %arg13[%dma_start3A_321] : memref<8192xf32, #tpu.memory_space<vmem>> -> memref<1024xf32, #tpu.memory_space<vmem>>
        %dma_start3A_323 = arith.constant 0 : i32
        %dma_start3A_324 = tpu.memref_slice %arg5[%scan3A_209, %dma_start3A_320, %add3A, %dma_start3A_323] : memref<200x8x32x1024xf32, #tpu.memory_space<hbm>> -> memref<1x1x1x1024xf32, #tpu.memory_space<hbm>>
        %dma_start3A_325 = tpu.memref_squeeze %dma_start3A_324 : memref<1x1x1x1024xf32, #tpu.memory_space<hbm>> -> memref<1024xf32, #tpu.memory_space<hbm>>
        %dma_start3A_326 = arith.constant 0 : i32
        %dma_start3A_327 = tpu.memref_slice %arg5[%scan3A_209, %dma_start3A_320, %add3A, %dma_start3A_326] : memref<200x8x32x1024xf32, #tpu.memory_space<hbm>> -> memref<1x1x1x1024xf32, #tpu.memory_space<hbm>>
        %dma_start3A_328 = tpu.memref_squeeze %dma_start3A_327 : memref<1x1x1x1024xf32, #tpu.memory_space<hbm>> -> memref<1024xf32, #tpu.memory_space<hbm>>
        %dma_start3A_329 = arith.constant 6144 : i32
        %dma_start3A_330 = tpu.memref_slice %arg13[%dma_start3A_329] : memref<8192xf32, #tpu.memory_space<vmem>> -> memref<1024xf32, #tpu.memory_space<vmem>>
        tpu.enqueue_dma source(%dma_start3A_330 : memref<1024xf32, #tpu.memory_space<vmem>>) target(%dma_start3A_328 : memref<1024xf32, #tpu.memory_space<hbm>>) target_semaphore(%arg17 : memref<!tpu.dma_semaphore, #tpu.memory_space<semaphore_mem>>)
        %dma_start3A_331 = arith.constant 7 : i32
        %dma_start3A_332 = arith.constant 7168 : i32
        %dma_start3A_333 = tpu.memref_slice %arg13[%dma_start3A_332] : memref<8192xf32, #tpu.memory_space<vmem>> -> memref<1024xf32, #tpu.memory_space<vmem>>
        %dma_start3A_334 = arith.constant 0 : i32
        %dma_start3A_335 = tpu.memref_slice %arg5[%scan3A_209, %dma_start3A_331, %add3A, %dma_start3A_334] : memref<200x8x32x1024xf32, #tpu.memory_space<hbm>> -> memref<1x1x1x1024xf32, #tpu.memory_space<hbm>>
        %dma_start3A_336 = tpu.memref_squeeze %dma_start3A_335 : memref<1x1x1x1024xf32, #tpu.memory_space<hbm>> -> memref<1024xf32, #tpu.memory_space<hbm>>
        %dma_start3A_337 = arith.constant 0 : i32
        %dma_start3A_338 = tpu.memref_slice %arg5[%scan3A_209, %dma_start3A_331, %add3A, %dma_start3A_337] : memref<200x8x32x1024xf32, #tpu.memory_space<hbm>> -> memref<1x1x1x1024xf32, #tpu.memory_space<hbm>>
        %dma_start3A_339 = tpu.memref_squeeze %dma_start3A_338 : memref<1x1x1x1024xf32, #tpu.memory_space<hbm>> -> memref<1024xf32, #tpu.memory_space<hbm>>
        %dma_start3A_340 = arith.constant 7168 : i32
        %dma_start3A_341 = tpu.memref_slice %arg13[%dma_start3A_340] : memref<8192xf32, #tpu.memory_space<vmem>> -> memref<1024xf32, #tpu.memory_space<vmem>>
        tpu.enqueue_dma source(%dma_start3A_341 : memref<1024xf32, #tpu.memory_space<vmem>>) target(%dma_start3A_339 : memref<1024xf32, #tpu.memory_space<hbm>>) target_semaphore(%arg17 : memref<!tpu.dma_semaphore, #tpu.memory_space<semaphore_mem>>)
      } else {
      }
    }
    %scan3A_17 = arith.constant 200 : i32
    %dma_wait3A = arith.constant 198 : i32
    %dma_wait3A_18 = arith.constant 0 : i32
    %dma_wait3A_19 = arith.constant 0 : i32
    %dma_wait3A_20 = tpu.memref_slice %arg12[%dma_wait3A_19] : memref<8192xf32, #tpu.memory_space<vmem>> -> memref<1024xf32, #tpu.memory_space<vmem>>
    %dma_wait3A_21 = arith.constant 0 : i32
    %dma_wait3A_22 = tpu.memref_slice %arg5[%dma_wait3A, %dma_wait3A_18, %add3A, %dma_wait3A_21] : memref<200x8x32x1024xf32, #tpu.memory_space<hbm>> -> memref<1x1x1x1024xf32, #tpu.memory_space<hbm>>
    %dma_wait3A_23 = tpu.memref_squeeze %dma_wait3A_22 : memref<1x1x1x1024xf32, #tpu.memory_space<hbm>> -> memref<1024xf32, #tpu.memory_space<hbm>>
    %dma_wait3A_24 = arith.constant 0 : i32
    %dma_wait3A_25 = tpu.memref_slice %arg5[%dma_wait3A, %dma_wait3A_18, %add3A, %dma_wait3A_24] : memref<200x8x32x1024xf32, #tpu.memory_space<hbm>> -> memref<1x1x1x1024xf32, #tpu.memory_space<hbm>>
    %dma_wait3A_26 = tpu.memref_squeeze %dma_wait3A_25 : memref<1x1x1x1024xf32, #tpu.memory_space<hbm>> -> memref<1024xf32, #tpu.memory_space<hbm>>
    %dma_wait3A_27 = arith.constant 0 : i32
    %dma_wait3A_28 = tpu.memref_slice %arg12[%dma_wait3A_27] : memref<8192xf32, #tpu.memory_space<vmem>> -> memref<1024xf32, #tpu.memory_space<vmem>>
    tpu.wait_dma2 semaphore(%arg16 : memref<!tpu.dma_semaphore, #tpu.memory_space<semaphore_mem>>) src(%dma_wait3A_28 : memref<1024xf32, #tpu.memory_space<vmem>>) dst(%dma_wait3A_26 : memref<1024xf32, #tpu.memory_space<hbm>>)
    %dma_wait3A_29 = arith.constant 198 : i32
    %dma_wait3A_30 = arith.constant 1 : i32
    %dma_wait3A_31 = arith.constant 1024 : i32
    %dma_wait3A_32 = tpu.memref_slice %arg12[%dma_wait3A_31] : memref<8192xf32, #tpu.memory_space<vmem>> -> memref<1024xf32, #tpu.memory_space<vmem>>
    %dma_wait3A_33 = arith.constant 0 : i32
    %dma_wait3A_34 = tpu.memref_slice %arg5[%dma_wait3A_29, %dma_wait3A_30, %add3A, %dma_wait3A_33] : memref<200x8x32x1024xf32, #tpu.memory_space<hbm>> -> memref<1x1x1x1024xf32, #tpu.memory_space<hbm>>
    %dma_wait3A_35 = tpu.memref_squeeze %dma_wait3A_34 : memref<1x1x1x1024xf32, #tpu.memory_space<hbm>> -> memref<1024xf32, #tpu.memory_space<hbm>>
    %dma_wait3A_36 = arith.constant 0 : i32
    %dma_wait3A_37 = tpu.memref_slice %arg5[%dma_wait3A_29, %dma_wait3A_30, %add3A, %dma_wait3A_36] : memref<200x8x32x1024xf32, #tpu.memory_space<hbm>> -> memref<1x1x1x1024xf32, #tpu.memory_space<hbm>>
    %dma_wait3A_38 = tpu.memref_squeeze %dma_wait3A_37 : memref<1x1x1x1024xf32, #tpu.memory_space<hbm>> -> memref<1024xf32, #tpu.memory_space<hbm>>
    %dma_wait3A_39 = arith.constant 1024 : i32
    %dma_wait3A_40 = tpu.memref_slice %arg12[%dma_wait3A_39] : memref<8192xf32, #tpu.memory_space<vmem>> -> memref<1024xf32, #tpu.memory_space<vmem>>
    tpu.wait_dma2 semaphore(%arg16 : memref<!tpu.dma_semaphore, #tpu.memory_space<semaphore_mem>>) src(%dma_wait3A_40 : memref<1024xf32, #tpu.memory_space<vmem>>) dst(%dma_wait3A_38 : memref<1024xf32, #tpu.memory_space<hbm>>)
    %dma_wait3A_41 = arith.constant 198 : i32
    %dma_wait3A_42 = arith.constant 2 : i32
    %dma_wait3A_43 = arith.constant 2048 : i32
    %dma_wait3A_44 = tpu.memref_slice %arg12[%dma_wait3A_43] : memref<8192xf32, #tpu.memory_space<vmem>> -> memref<1024xf32, #tpu.memory_space<vmem>>
    %dma_wait3A_45 = arith.constant 0 : i32
    %dma_wait3A_46 = tpu.memref_slice %arg5[%dma_wait3A_41, %dma_wait3A_42, %add3A, %dma_wait3A_45] : memref<200x8x32x1024xf32, #tpu.memory_space<hbm>> -> memref<1x1x1x1024xf32, #tpu.memory_space<hbm>>
    %dma_wait3A_47 = tpu.memref_squeeze %dma_wait3A_46 : memref<1x1x1x1024xf32, #tpu.memory_space<hbm>> -> memref<1024xf32, #tpu.memory_space<hbm>>
    %dma_wait3A_48 = arith.constant 0 : i32
    %dma_wait3A_49 = tpu.memref_slice %arg5[%dma_wait3A_41, %dma_wait3A_42, %add3A, %dma_wait3A_48] : memref<200x8x32x1024xf32, #tpu.memory_space<hbm>> -> memref<1x1x1x1024xf32, #tpu.memory_space<hbm>>
    %dma_wait3A_50 = tpu.memref_squeeze %dma_wait3A_49 : memref<1x1x1x1024xf32, #tpu.memory_space<hbm>> -> memref<1024xf32, #tpu.memory_space<hbm>>
    %dma_wait3A_51 = arith.constant 2048 : i32
    %dma_wait3A_52 = tpu.memref_slice %arg12[%dma_wait3A_51] : memref<8192xf32, #tpu.memory_space<vmem>> -> memref<1024xf32, #tpu.memory_space<vmem>>
    tpu.wait_dma2 semaphore(%arg16 : memref<!tpu.dma_semaphore, #tpu.memory_space<semaphore_mem>>) src(%dma_wait3A_52 : memref<1024xf32, #tpu.memory_space<vmem>>) dst(%dma_wait3A_50 : memref<1024xf32, #tpu.memory_space<hbm>>)
    %dma_wait3A_53 = arith.constant 198 : i32
    %dma_wait3A_54 = arith.constant 3 : i32
    %dma_wait3A_55 = arith.constant 3072 : i32
    %dma_wait3A_56 = tpu.memref_slice %arg12[%dma_wait3A_55] : memref<8192xf32, #tpu.memory_space<vmem>> -> memref<1024xf32, #tpu.memory_space<vmem>>
    %dma_wait3A_57 = arith.constant 0 : i32
    %dma_wait3A_58 = tpu.memref_slice %arg5[%dma_wait3A_53, %dma_wait3A_54, %add3A, %dma_wait3A_57] : memref<200x8x32x1024xf32, #tpu.memory_space<hbm>> -> memref<1x1x1x1024xf32, #tpu.memory_space<hbm>>
    %dma_wait3A_59 = tpu.memref_squeeze %dma_wait3A_58 : memref<1x1x1x1024xf32, #tpu.memory_space<hbm>> -> memref<1024xf32, #tpu.memory_space<hbm>>
    %dma_wait3A_60 = arith.constant 0 : i32
    %dma_wait3A_61 = tpu.memref_slice %arg5[%dma_wait3A_53, %dma_wait3A_54, %add3A, %dma_wait3A_60] : memref<200x8x32x1024xf32, #tpu.memory_space<hbm>> -> memref<1x1x1x1024xf32, #tpu.memory_space<hbm>>
    %dma_wait3A_62 = tpu.memref_squeeze %dma_wait3A_61 : memref<1x1x1x1024xf32, #tpu.memory_space<hbm>> -> memref<1024xf32, #tpu.memory_space<hbm>>
    %dma_wait3A_63 = arith.constant 3072 : i32
    %dma_wait3A_64 = tpu.memref_slice %arg12[%dma_wait3A_63] : memref<8192xf32, #tpu.memory_space<vmem>> -> memref<1024xf32, #tpu.memory_space<vmem>>
    tpu.wait_dma2 semaphore(%arg16 : memref<!tpu.dma_semaphore, #tpu.memory_space<semaphore_mem>>) src(%dma_wait3A_64 : memref<1024xf32, #tpu.memory_space<vmem>>) dst(%dma_wait3A_62 : memref<1024xf32, #tpu.memory_space<hbm>>)
    %dma_wait3A_65 = arith.constant 198 : i32
    %dma_wait3A_66 = arith.constant 4 : i32
    %dma_wait3A_67 = arith.constant 4096 : i32
    %dma_wait3A_68 = tpu.memref_slice %arg12[%dma_wait3A_67] : memref<8192xf32, #tpu.memory_space<vmem>> -> memref<1024xf32, #tpu.memory_space<vmem>>
    %dma_wait3A_69 = arith.constant 0 : i32
    %dma_wait3A_70 = tpu.memref_slice %arg5[%dma_wait3A_65, %dma_wait3A_66, %add3A, %dma_wait3A_69] : memref<200x8x32x1024xf32, #tpu.memory_space<hbm>> -> memref<1x1x1x1024xf32, #tpu.memory_space<hbm>>
    %dma_wait3A_71 = tpu.memref_squeeze %dma_wait3A_70 : memref<1x1x1x1024xf32, #tpu.memory_space<hbm>> -> memref<1024xf32, #tpu.memory_space<hbm>>
    %dma_wait3A_72 = arith.constant 0 : i32
    %dma_wait3A_73 = tpu.memref_slice %arg5[%dma_wait3A_65, %dma_wait3A_66, %add3A, %dma_wait3A_72] : memref<200x8x32x1024xf32, #tpu.memory_space<hbm>> -> memref<1x1x1x1024xf32, #tpu.memory_space<hbm>>
    %dma_wait3A_74 = tpu.memref_squeeze %dma_wait3A_73 : memref<1x1x1x1024xf32, #tpu.memory_space<hbm>> -> memref<1024xf32, #tpu.memory_space<hbm>>
    %dma_wait3A_75 = arith.constant 4096 : i32
    %dma_wait3A_76 = tpu.memref_slice %arg12[%dma_wait3A_75] : memref<8192xf32, #tpu.memory_space<vmem>> -> memref<1024xf32, #tpu.memory_space<vmem>>
    tpu.wait_dma2 semaphore(%arg16 : memref<!tpu.dma_semaphore, #tpu.memory_space<semaphore_mem>>) src(%dma_wait3A_76 : memref<1024xf32, #tpu.memory_space<vmem>>) dst(%dma_wait3A_74 : memref<1024xf32, #tpu.memory_space<hbm>>)
    %dma_wait3A_77 = arith.constant 198 : i32
    %dma_wait3A_78 = arith.constant 5 : i32
    %dma_wait3A_79 = arith.constant 5120 : i32
    %dma_wait3A_80 = tpu.memref_slice %arg12[%dma_wait3A_79] : memref<8192xf32, #tpu.memory_space<vmem>> -> memref<1024xf32, #tpu.memory_space<vmem>>
    %dma_wait3A_81 = arith.constant 0 : i32
    %dma_wait3A_82 = tpu.memref_slice %arg5[%dma_wait3A_77, %dma_wait3A_78, %add3A, %dma_wait3A_81] : memref<200x8x32x1024xf32, #tpu.memory_space<hbm>> -> memref<1x1x1x1024xf32, #tpu.memory_space<hbm>>
    %dma_wait3A_83 = tpu.memref_squeeze %dma_wait3A_82 : memref<1x1x1x1024xf32, #tpu.memory_space<hbm>> -> memref<1024xf32, #tpu.memory_space<hbm>>
    %dma_wait3A_84 = arith.constant 0 : i32
    %dma_wait3A_85 = tpu.memref_slice %arg5[%dma_wait3A_77, %dma_wait3A_78, %add3A, %dma_wait3A_84] : memref<200x8x32x1024xf32, #tpu.memory_space<hbm>> -> memref<1x1x1x1024xf32, #tpu.memory_space<hbm>>
    %dma_wait3A_86 = tpu.memref_squeeze %dma_wait3A_85 : memref<1x1x1x1024xf32, #tpu.memory_space<hbm>> -> memref<1024xf32, #tpu.memory_space<hbm>>
    %dma_wait3A_87 = arith.constant 5120 : i32
    %dma_wait3A_88 = tpu.memref_slice %arg12[%dma_wait3A_87] : memref<8192xf32, #tpu.memory_space<vmem>> -> memref<1024xf32, #tpu.memory_space<vmem>>
    tpu.wait_dma2 semaphore(%arg16 : memref<!tpu.dma_semaphore, #tpu.memory_space<semaphore_mem>>) src(%dma_wait3A_88 : memref<1024xf32, #tpu.memory_space<vmem>>) dst(%dma_wait3A_86 : memref<1024xf32, #tpu.memory_space<hbm>>)
    %dma_wait3A_89 = arith.constant 198 : i32
    %dma_wait3A_90 = arith.constant 6 : i32
    %dma_wait3A_91 = arith.constant 6144 : i32
    %dma_wait3A_92 = tpu.memref_slice %arg12[%dma_wait3A_91] : memref<8192xf32, #tpu.memory_space<vmem>> -> memref<1024xf32, #tpu.memory_space<vmem>>
    %dma_wait3A_93 = arith.constant 0 : i32
    %dma_wait3A_94 = tpu.memref_slice %arg5[%dma_wait3A_89, %dma_wait3A_90, %add3A, %dma_wait3A_93] : memref<200x8x32x1024xf32, #tpu.memory_space<hbm>> -> memref<1x1x1x1024xf32, #tpu.memory_space<hbm>>
    %dma_wait3A_95 = tpu.memref_squeeze %dma_wait3A_94 : memref<1x1x1x1024xf32, #tpu.memory_space<hbm>> -> memref<1024xf32, #tpu.memory_space<hbm>>
    %dma_wait3A_96 = arith.constant 0 : i32
    %dma_wait3A_97 = tpu.memref_slice %arg5[%dma_wait3A_89, %dma_wait3A_90, %add3A, %dma_wait3A_96] : memref<200x8x32x1024xf32, #tpu.memory_space<hbm>> -> memref<1x1x1x1024xf32, #tpu.memory_space<hbm>>
    %dma_wait3A_98 = tpu.memref_squeeze %dma_wait3A_97 : memref<1x1x1x1024xf32, #tpu.memory_space<hbm>> -> memref<1024xf32, #tpu.memory_space<hbm>>
    %dma_wait3A_99 = arith.constant 6144 : i32
    %dma_wait3A_100 = tpu.memref_slice %arg12[%dma_wait3A_99] : memref<8192xf32, #tpu.memory_space<vmem>> -> memref<1024xf32, #tpu.memory_space<vmem>>
    tpu.wait_dma2 semaphore(%arg16 : memref<!tpu.dma_semaphore, #tpu.memory_space<semaphore_mem>>) src(%dma_wait3A_100 : memref<1024xf32, #tpu.memory_space<vmem>>) dst(%dma_wait3A_98 : memref<1024xf32, #tpu.memory_space<hbm>>)
    %dma_wait3A_101 = arith.constant 198 : i32
    %dma_wait3A_102 = arith.constant 7 : i32
    %dma_wait3A_103 = arith.constant 7168 : i32
    %dma_wait3A_104 = tpu.memref_slice %arg12[%dma_wait3A_103] : memref<8192xf32, #tpu.memory_space<vmem>> -> memref<1024xf32, #tpu.memory_space<vmem>>
    %dma_wait3A_105 = arith.constant 0 : i32
    %dma_wait3A_106 = tpu.memref_slice %arg5[%dma_wait3A_101, %dma_wait3A_102, %add3A, %dma_wait3A_105] : memref<200x8x32x1024xf32, #tpu.memory_space<hbm>> -> memref<1x1x1x1024xf32, #tpu.memory_space<hbm>>
    %dma_wait3A_107 = tpu.memref_squeeze %dma_wait3A_106 : memref<1x1x1x1024xf32, #tpu.memory_space<hbm>> -> memref<1024xf32, #tpu.memory_space<hbm>>
    %dma_wait3A_108 = arith.constant 0 : i32
    %dma_wait3A_109 = tpu.memref_slice %arg5[%dma_wait3A_101, %dma_wait3A_102, %add3A, %dma_wait3A_108] : memref<200x8x32x1024xf32, #tpu.memory_space<hbm>> -> memref<1x1x1x1024xf32, #tpu.memory_space<hbm>>
    %dma_wait3A_110 = tpu.memref_squeeze %dma_wait3A_109 : memref<1x1x1x1024xf32, #tpu.memory_space<hbm>> -> memref<1024xf32, #tpu.memory_space<hbm>>
    %dma_wait3A_111 = arith.constant 7168 : i32
    %dma_wait3A_112 = tpu.memref_slice %arg12[%dma_wait3A_111] : memref<8192xf32, #tpu.memory_space<vmem>> -> memref<1024xf32, #tpu.memory_space<vmem>>
    tpu.wait_dma2 semaphore(%arg16 : memref<!tpu.dma_semaphore, #tpu.memory_space<semaphore_mem>>) src(%dma_wait3A_112 : memref<1024xf32, #tpu.memory_space<vmem>>) dst(%dma_wait3A_110 : memref<1024xf32, #tpu.memory_space<hbm>>)
    %dma_wait3A_113 = arith.constant 199 : i32
    %dma_wait3A_114 = arith.constant 0 : i32
    %dma_wait3A_115 = arith.constant 0 : i32
    %dma_wait3A_116 = tpu.memref_slice %arg13[%dma_wait3A_115] : memref<8192xf32, #tpu.memory_space<vmem>> -> memref<1024xf32, #tpu.memory_space<vmem>>
    %dma_wait3A_117 = arith.constant 0 : i32
    %dma_wait3A_118 = tpu.memref_slice %arg5[%dma_wait3A_113, %dma_wait3A_114, %add3A, %dma_wait3A_117] : memref<200x8x32x1024xf32, #tpu.memory_space<hbm>> -> memref<1x1x1x1024xf32, #tpu.memory_space<hbm>>
    %dma_wait3A_119 = tpu.memref_squeeze %dma_wait3A_118 : memref<1x1x1x1024xf32, #tpu.memory_space<hbm>> -> memref<1024xf32, #tpu.memory_space<hbm>>
    %dma_wait3A_120 = arith.constant 0 : i32
    %dma_wait3A_121 = tpu.memref_slice %arg5[%dma_wait3A_113, %dma_wait3A_114, %add3A, %dma_wait3A_120] : memref<200x8x32x1024xf32, #tpu.memory_space<hbm>> -> memref<1x1x1x1024xf32, #tpu.memory_space<hbm>>
    %dma_wait3A_122 = tpu.memref_squeeze %dma_wait3A_121 : memref<1x1x1x1024xf32, #tpu.memory_space<hbm>> -> memref<1024xf32, #tpu.memory_space<hbm>>
    %dma_wait3A_123 = arith.constant 0 : i32
    %dma_wait3A_124 = tpu.memref_slice %arg13[%dma_wait3A_123] : memref<8192xf32, #tpu.memory_space<vmem>> -> memref<1024xf32, #tpu.memory_space<vmem>>
    tpu.wait_dma2 semaphore(%arg17 : memref<!tpu.dma_semaphore, #tpu.memory_space<semaphore_mem>>) src(%dma_wait3A_124 : memref<1024xf32, #tpu.memory_space<vmem>>) dst(%dma_wait3A_122 : memref<1024xf32, #tpu.memory_space<hbm>>)
    %dma_wait3A_125 = arith.constant 199 : i32
    %dma_wait3A_126 = arith.constant 1 : i32
    %dma_wait3A_127 = arith.constant 1024 : i32
    %dma_wait3A_128 = tpu.memref_slice %arg13[%dma_wait3A_127] : memref<8192xf32, #tpu.memory_space<vmem>> -> memref<1024xf32, #tpu.memory_space<vmem>>
    %dma_wait3A_129 = arith.constant 0 : i32
    %dma_wait3A_130 = tpu.memref_slice %arg5[%dma_wait3A_125, %dma_wait3A_126, %add3A, %dma_wait3A_129] : memref<200x8x32x1024xf32, #tpu.memory_space<hbm>> -> memref<1x1x1x1024xf32, #tpu.memory_space<hbm>>
    %dma_wait3A_131 = tpu.memref_squeeze %dma_wait3A_130 : memref<1x1x1x1024xf32, #tpu.memory_space<hbm>> -> memref<1024xf32, #tpu.memory_space<hbm>>
    %dma_wait3A_132 = arith.constant 0 : i32
    %dma_wait3A_133 = tpu.memref_slice %arg5[%dma_wait3A_125, %dma_wait3A_126, %add3A, %dma_wait3A_132] : memref<200x8x32x1024xf32, #tpu.memory_space<hbm>> -> memref<1x1x1x1024xf32, #tpu.memory_space<hbm>>
    %dma_wait3A_134 = tpu.memref_squeeze %dma_wait3A_133 : memref<1x1x1x1024xf32, #tpu.memory_space<hbm>> -> memref<1024xf32, #tpu.memory_space<hbm>>
    %dma_wait3A_135 = arith.constant 1024 : i32
    %dma_wait3A_136 = tpu.memref_slice %arg13[%dma_wait3A_135] : memref<8192xf32, #tpu.memory_space<vmem>> -> memref<1024xf32, #tpu.memory_space<vmem>>
    tpu.wait_dma2 semaphore(%arg17 : memref<!tpu.dma_semaphore, #tpu.memory_space<semaphore_mem>>) src(%dma_wait3A_136 : memref<1024xf32, #tpu.memory_space<vmem>>) dst(%dma_wait3A_134 : memref<1024xf32, #tpu.memory_space<hbm>>)
    %dma_wait3A_137 = arith.constant 199 : i32
    %dma_wait3A_138 = arith.constant 2 : i32
    %dma_wait3A_139 = arith.constant 2048 : i32
    %dma_wait3A_140 = tpu.memref_slice %arg13[%dma_wait3A_139] : memref<8192xf32, #tpu.memory_space<vmem>> -> memref<1024xf32, #tpu.memory_space<vmem>>
    %dma_wait3A_141 = arith.constant 0 : i32
    %dma_wait3A_142 = tpu.memref_slice %arg5[%dma_wait3A_137, %dma_wait3A_138, %add3A, %dma_wait3A_141] : memref<200x8x32x1024xf32, #tpu.memory_space<hbm>> -> memref<1x1x1x1024xf32, #tpu.memory_space<hbm>>
    %dma_wait3A_143 = tpu.memref_squeeze %dma_wait3A_142 : memref<1x1x1x1024xf32, #tpu.memory_space<hbm>> -> memref<1024xf32, #tpu.memory_space<hbm>>
    %dma_wait3A_144 = arith.constant 0 : i32
    %dma_wait3A_145 = tpu.memref_slice %arg5[%dma_wait3A_137, %dma_wait3A_138, %add3A, %dma_wait3A_144] : memref<200x8x32x1024xf32, #tpu.memory_space<hbm>> -> memref<1x1x1x1024xf32, #tpu.memory_space<hbm>>
    %dma_wait3A_146 = tpu.memref_squeeze %dma_wait3A_145 : memref<1x1x1x1024xf32, #tpu.memory_space<hbm>> -> memref<1024xf32, #tpu.memory_space<hbm>>
    %dma_wait3A_147 = arith.constant 2048 : i32
    %dma_wait3A_148 = tpu.memref_slice %arg13[%dma_wait3A_147] : memref<8192xf32, #tpu.memory_space<vmem>> -> memref<1024xf32, #tpu.memory_space<vmem>>
    tpu.wait_dma2 semaphore(%arg17 : memref<!tpu.dma_semaphore, #tpu.memory_space<semaphore_mem>>) src(%dma_wait3A_148 : memref<1024xf32, #tpu.memory_space<vmem>>) dst(%dma_wait3A_146 : memref<1024xf32, #tpu.memory_space<hbm>>)
    %dma_wait3A_149 = arith.constant 199 : i32
    %dma_wait3A_150 = arith.constant 3 : i32
    %dma_wait3A_151 = arith.constant 3072 : i32
    %dma_wait3A_152 = tpu.memref_slice %arg13[%dma_wait3A_151] : memref<8192xf32, #tpu.memory_space<vmem>> -> memref<1024xf32, #tpu.memory_space<vmem>>
    %dma_wait3A_153 = arith.constant 0 : i32
    %dma_wait3A_154 = tpu.memref_slice %arg5[%dma_wait3A_149, %dma_wait3A_150, %add3A, %dma_wait3A_153] : memref<200x8x32x1024xf32, #tpu.memory_space<hbm>> -> memref<1x1x1x1024xf32, #tpu.memory_space<hbm>>
    %dma_wait3A_155 = tpu.memref_squeeze %dma_wait3A_154 : memref<1x1x1x1024xf32, #tpu.memory_space<hbm>> -> memref<1024xf32, #tpu.memory_space<hbm>>
    %dma_wait3A_156 = arith.constant 0 : i32
    %dma_wait3A_157 = tpu.memref_slice %arg5[%dma_wait3A_149, %dma_wait3A_150, %add3A, %dma_wait3A_156] : memref<200x8x32x1024xf32, #tpu.memory_space<hbm>> -> memref<1x1x1x1024xf32, #tpu.memory_space<hbm>>
    %dma_wait3A_158 = tpu.memref_squeeze %dma_wait3A_157 : memref<1x1x1x1024xf32, #tpu.memory_space<hbm>> -> memref<1024xf32, #tpu.memory_space<hbm>>
    %dma_wait3A_159 = arith.constant 3072 : i32
    %dma_wait3A_160 = tpu.memref_slice %arg13[%dma_wait3A_159] : memref<8192xf32, #tpu.memory_space<vmem>> -> memref<1024xf32, #tpu.memory_space<vmem>>
    tpu.wait_dma2 semaphore(%arg17 : memref<!tpu.dma_semaphore, #tpu.memory_space<semaphore_mem>>) src(%dma_wait3A_160 : memref<1024xf32, #tpu.memory_space<vmem>>) dst(%dma_wait3A_158 : memref<1024xf32, #tpu.memory_space<hbm>>)
    %dma_wait3A_161 = arith.constant 199 : i32
    %dma_wait3A_162 = arith.constant 4 : i32
    %dma_wait3A_163 = arith.constant 4096 : i32
    %dma_wait3A_164 = tpu.memref_slice %arg13[%dma_wait3A_163] : memref<8192xf32, #tpu.memory_space<vmem>> -> memref<1024xf32, #tpu.memory_space<vmem>>
    %dma_wait3A_165 = arith.constant 0 : i32
    %dma_wait3A_166 = tpu.memref_slice %arg5[%dma_wait3A_161, %dma_wait3A_162, %add3A, %dma_wait3A_165] : memref<200x8x32x1024xf32, #tpu.memory_space<hbm>> -> memref<1x1x1x1024xf32, #tpu.memory_space<hbm>>
    %dma_wait3A_167 = tpu.memref_squeeze %dma_wait3A_166 : memref<1x1x1x1024xf32, #tpu.memory_space<hbm>> -> memref<1024xf32, #tpu.memory_space<hbm>>
    %dma_wait3A_168 = arith.constant 0 : i32
    %dma_wait3A_169 = tpu.memref_slice %arg5[%dma_wait3A_161, %dma_wait3A_162, %add3A, %dma_wait3A_168] : memref<200x8x32x1024xf32, #tpu.memory_space<hbm>> -> memref<1x1x1x1024xf32, #tpu.memory_space<hbm>>
    %dma_wait3A_170 = tpu.memref_squeeze %dma_wait3A_169 : memref<1x1x1x1024xf32, #tpu.memory_space<hbm>> -> memref<1024xf32, #tpu.memory_space<hbm>>
    %dma_wait3A_171 = arith.constant 4096 : i32
    %dma_wait3A_172 = tpu.memref_slice %arg13[%dma_wait3A_171] : memref<8192xf32, #tpu.memory_space<vmem>> -> memref<1024xf32, #tpu.memory_space<vmem>>
    tpu.wait_dma2 semaphore(%arg17 : memref<!tpu.dma_semaphore, #tpu.memory_space<semaphore_mem>>) src(%dma_wait3A_172 : memref<1024xf32, #tpu.memory_space<vmem>>) dst(%dma_wait3A_170 : memref<1024xf32, #tpu.memory_space<hbm>>)
    %dma_wait3A_173 = arith.constant 199 : i32
    %dma_wait3A_174 = arith.constant 5 : i32
    %dma_wait3A_175 = arith.constant 5120 : i32
    %dma_wait3A_176 = tpu.memref_slice %arg13[%dma_wait3A_175] : memref<8192xf32, #tpu.memory_space<vmem>> -> memref<1024xf32, #tpu.memory_space<vmem>>
    %dma_wait3A_177 = arith.constant 0 : i32
    %dma_wait3A_178 = tpu.memref_slice %arg5[%dma_wait3A_173, %dma_wait3A_174, %add3A, %dma_wait3A_177] : memref<200x8x32x1024xf32, #tpu.memory_space<hbm>> -> memref<1x1x1x1024xf32, #tpu.memory_space<hbm>>
    %dma_wait3A_179 = tpu.memref_squeeze %dma_wait3A_178 : memref<1x1x1x1024xf32, #tpu.memory_space<hbm>> -> memref<1024xf32, #tpu.memory_space<hbm>>
    %dma_wait3A_180 = arith.constant 0 : i32
    %dma_wait3A_181 = tpu.memref_slice %arg5[%dma_wait3A_173, %dma_wait3A_174, %add3A, %dma_wait3A_180] : memref<200x8x32x1024xf32, #tpu.memory_space<hbm>> -> memref<1x1x1x1024xf32, #tpu.memory_space<hbm>>
    %dma_wait3A_182 = tpu.memref_squeeze %dma_wait3A_181 : memref<1x1x1x1024xf32, #tpu.memory_space<hbm>> -> memref<1024xf32, #tpu.memory_space<hbm>>
    %dma_wait3A_183 = arith.constant 5120 : i32
    %dma_wait3A_184 = tpu.memref_slice %arg13[%dma_wait3A_183] : memref<8192xf32, #tpu.memory_space<vmem>> -> memref<1024xf32, #tpu.memory_space<vmem>>
    tpu.wait_dma2 semaphore(%arg17 : memref<!tpu.dma_semaphore, #tpu.memory_space<semaphore_mem>>) src(%dma_wait3A_184 : memref<1024xf32, #tpu.memory_space<vmem>>) dst(%dma_wait3A_182 : memref<1024xf32, #tpu.memory_space<hbm>>)
    %dma_wait3A_185 = arith.constant 199 : i32
    %dma_wait3A_186 = arith.constant 6 : i32
    %dma_wait3A_187 = arith.constant 6144 : i32
    %dma_wait3A_188 = tpu.memref_slice %arg13[%dma_wait3A_187] : memref<8192xf32, #tpu.memory_space<vmem>> -> memref<1024xf32, #tpu.memory_space<vmem>>
    %dma_wait3A_189 = arith.constant 0 : i32
    %dma_wait3A_190 = tpu.memref_slice %arg5[%dma_wait3A_185, %dma_wait3A_186, %add3A, %dma_wait3A_189] : memref<200x8x32x1024xf32, #tpu.memory_space<hbm>> -> memref<1x1x1x1024xf32, #tpu.memory_space<hbm>>
    %dma_wait3A_191 = tpu.memref_squeeze %dma_wait3A_190 : memref<1x1x1x1024xf32, #tpu.memory_space<hbm>> -> memref<1024xf32, #tpu.memory_space<hbm>>
    %dma_wait3A_192 = arith.constant 0 : i32
    %dma_wait3A_193 = tpu.memref_slice %arg5[%dma_wait3A_185, %dma_wait3A_186, %add3A, %dma_wait3A_192] : memref<200x8x32x1024xf32, #tpu.memory_space<hbm>> -> memref<1x1x1x1024xf32, #tpu.memory_space<hbm>>
    %dma_wait3A_194 = tpu.memref_squeeze %dma_wait3A_193 : memref<1x1x1x1024xf32, #tpu.memory_space<hbm>> -> memref<1024xf32, #tpu.memory_space<hbm>>
    %dma_wait3A_195 = arith.constant 6144 : i32
    %dma_wait3A_196 = tpu.memref_slice %arg13[%dma_wait3A_195] : memref<8192xf32, #tpu.memory_space<vmem>> -> memref<1024xf32, #tpu.memory_space<vmem>>
    tpu.wait_dma2 semaphore(%arg17 : memref<!tpu.dma_semaphore, #tpu.memory_space<semaphore_mem>>) src(%dma_wait3A_196 : memref<1024xf32, #tpu.memory_space<vmem>>) dst(%dma_wait3A_194 : memref<1024xf32, #tpu.memory_space<hbm>>)
    %dma_wait3A_197 = arith.constant 199 : i32
    %dma_wait3A_198 = arith.constant 7 : i32
    %dma_wait3A_199 = arith.constant 7168 : i32
    %dma_wait3A_200 = tpu.memref_slice %arg13[%dma_wait3A_199] : memref<8192xf32, #tpu.memory_space<vmem>> -> memref<1024xf32, #tpu.memory_space<vmem>>
    %dma_wait3A_201 = arith.constant 0 : i32
    %dma_wait3A_202 = tpu.memref_slice %arg5[%dma_wait3A_197, %dma_wait3A_198, %add3A, %dma_wait3A_201] : memref<200x8x32x1024xf32, #tpu.memory_space<hbm>> -> memref<1x1x1x1024xf32, #tpu.memory_space<hbm>>
    %dma_wait3A_203 = tpu.memref_squeeze %dma_wait3A_202 : memref<1x1x1x1024xf32, #tpu.memory_space<hbm>> -> memref<1024xf32, #tpu.memory_space<hbm>>
    %dma_wait3A_204 = arith.constant 0 : i32
    %dma_wait3A_205 = tpu.memref_slice %arg5[%dma_wait3A_197, %dma_wait3A_198, %add3A, %dma_wait3A_204] : memref<200x8x32x1024xf32, #tpu.memory_space<hbm>> -> memref<1x1x1x1024xf32, #tpu.memory_space<hbm>>
    %dma_wait3A_206 = tpu.memref_squeeze %dma_wait3A_205 : memref<1x1x1x1024xf32, #tpu.memory_space<hbm>> -> memref<1024xf32, #tpu.memory_space<hbm>>
    %dma_wait3A_207 = arith.constant 7168 : i32
    %dma_wait3A_208 = tpu.memref_slice %arg13[%dma_wait3A_207] : memref<8192xf32, #tpu.memory_space<vmem>> -> memref<1024xf32, #tpu.memory_space<vmem>>
    tpu.wait_dma2 semaphore(%arg17 : memref<!tpu.dma_semaphore, #tpu.memory_space<semaphore_mem>>) src(%dma_wait3A_208 : memref<1024xf32, #tpu.memory_space<vmem>>) dst(%dma_wait3A_206 : memref<1024xf32, #tpu.memory_space<hbm>>)
    return
  }
}

</mosaic_0001>

<sc_bundles>
// kernel: kernel.3.cloned.1.call-start
scs
__scs_entry_jumppad:
0x0: {  	(pc) =	sbr.rel $0x88, $3  }
0x1: {  	(tag) =	ssettag $0x0;
	lr =	simm.s32 $0x1  }
0x2: {  	[smem:$0x3F9E] =	sst lr;
	_ =	strace $0xD0000000  }
0x3: {  	_ = 	snop  }
0x4: {  	_ = 	snop  }
0x5: {  	_ = 	snop  }
0x6: {  	_ = 	snop  }
0x7: {  	_ = 	snop  }
__scs_overlays_trampoline_lowered:
0x8: {  	[smem:$0x3FAD] =	sst s0  }
0x9: {  	[smem:$0x3FAE] =	sst s1  }
0xa: {  	[smem:$0x3FAF] =	sst s2  }
0xb: {  	[smem:$0x3FB0] =	sst s3  }
0xc: {  	[smem:$0x3FB1] =	sst s4  }
0xd: {  	[smem:$0x3FB2] =	sst s5  }
0xe: {  	[smem:$0x3FB3] =	sst s6  }
0xf: {  	[smem:$0x3FB4] =	sst s7  }
0x10: {  	[smem:$0x3FB5] =	sst s8  }
0x11: {  	[smem:$0x3FB6] =	sst s9;
	s0 =	simm.s32 @!p0 $0x0  }
0x12: {  	s1 =	sld [smem:$0x3F9C];
	s0 =	simm.s32 @p0 $0x1  }
0x13: {  	[smem:$0x3FB7] =	sst s0;
	s0 =	simm.s32 @!p1 $0x0  }
0x14: {  	s2 =	sld [smem:$0x3F9B];
	s0 =	simm.s32 @p1 $0x1  }
0x15: {  	[smem:$0x3FB8] =	sst s0;
	s0 =	simm.s32 @!p2 $0x0  }
0x16: {  	s3 =	sld [smem:$0x3FDB];
	s0 =	simm.s32 @p2 $0x1  }
0x17: {  	s4 =	simm.s32 $0x1BF5;
	[smem:$0x3FBA] =	sst s0  }
0x18: {  	s0 =	sld [smem:$0x3F9D];
	_ =	swait.ge [sflag:s4], $0x0  }
0x19: {  	s7 =	sld [smem:$0x3F9E]  }
0x1a: {  	s8 =	sadd.s32 $0xFFFFE003, lr  }
0x1b: {  	s9 =	sadd.s32 $0xFFFFFEF7, lr;
	s5 =	simm.s32 $0xFFFFFFFF;
	p2 =	slt.u32 s8, $0xFFFFF086  }
0x1c: {  	p1 =	slt.u32 s9, $0xF7A;
	s5 =	simm.s32 @!p2 $0x0  }
0x1d: {  	s5 =	simm.s32 @p1 $0x1;
	p0 =	seq.s32 s7, s2  }
0x1e: {  	s7 =	smul.u32 @!p0 $0xF7A, s2;
	p2 =	seq.s32 @!p0 s5, $0x0  }
0x1f: {  	s9 =	smul.u32 $0xF7A, s1;
	s8 =	simm.s32 @!p0 $0x1BF5;
	p2 =	por !p2, p0  }
0x20: {  	[sflag:s8] =	ssyncset.s32 @!p0 $0xFFFFF086;
	s6 =	sadd.s32 @!p0 s3, s7;
	s7 =	simm.s32 @!p0 $0x108  }
0x21: {  	s3 =	sadd.s32 s3, s9;
	s6 =	sadd.s32 @!p0 $0x88, s6;
	s7 =	simm.s32 @p2 $0x1082  }
0x22: {  	[simem:s7], [sflag:s8] =	dma.local @!p0 [hbm:s6], $0xF7A  }
0x23: {  	s9 =	sor.u32 $0xD0000000, s2;
	s6 =	simm.s32 $0x108;
	_ =	swait.ge @!p0 [sflag:s8], $0x0  }
0x24: {  	s3 =	sadd.s32 $0x88, s3;
	s6 =	simm.s32 @!p1 $0x1082;
	[sflag:s4] =	ssyncset.s32 $0xFFFFF086  }
0x25: {  	[simem:s6], [sflag:s4] =	dma.local [hbm:s3], $0xF7A  }
0x26: {  	[smem:$0x3F9E] =	sst s1;
	(tag) =	ssettag s2;
	_ =	strace s9  }
0x27: {  	s1 =	sld [smem:$0x3FAE]  }
0x28: {  	s2 =	sld [smem:$0x3FAF]  }
0x29: {  	s4 =	sld [smem:$0x3FB1]  }
0x2a: {  	p0 =	seq.s32 s5, $0x0;
	s5 =	sld [smem:$0x3FB2]  }
0x2b: {  	s6 =	sld [smem:$0x3FB3]  }
0x2c: {  	s7 =	sld [smem:$0x3FB4]  }
0x2d: {  	s3 =	simm.s32 $0x108;
	s8 =	sld [smem:$0x3FB5]  }
0x2e: {  	s3 =	simm.s32 @!p0 $0x1082;
	s9 =	sld [smem:$0x3FB6]  }
0x2f: {  	lr =	sadd.s32 s0, s3;
	s0 =	sld [smem:$0x3FAD]  }
0x30: {  	s3 =	sld [smem:$0x3FB0]  }
0x31: {  	[smem:$0x3FB9] =	sst s10  }
0x32: {  	s10 =	sld [smem:$0x3FB7];
	_ =	sdelay $0x3  }
0x33: {  	p0 =	seq.s32 s10, $0x1;
	s10 =	sld [smem:$0x3FB9];
	_ =	sdelay $0x3  }
0x34: {  	[smem:$0x3FB9] =	sst s10  }
0x35: {  	s10 =	sld [smem:$0x3FB8];
	_ =	sdelay $0x3  }
0x36: {  	p1 =	seq.s32 s10, $0x1;
	s10 =	sld [smem:$0x3FB9];
	_ =	sdelay $0x3  }
0x37: {  	[smem:$0x3FB9] =	sst s10  }
0x38: {  	s10 =	sld [smem:$0x3FBA]  }
0x39: {  	_ = 	snop;
	(pc) =	sbr.ind lr, $3  }
0x3a: {  	_ = 	snop  }
0x3b: {  	_ = 	snop  }
0x3c: {  	p2 =	seq.s32 s10, $0x1;
	s10 =	sld [smem:$0x3FB9]  }
0x3d: {  	_ =	shalt  }
0x3e: {  	_ =	shalt  }
0x3f: {  	_ =	shalt  }
0x40: {  	_ =	shalt  }
0x41: {  	_ =	shalt  }
0x42: {  	_ =	shalt  }
0x43: {  	_ =	shalt  }
0x44: {  	_ =	shalt  }
0x45: {  	_ =	shalt  }
0x46: {  	_ =	shalt  }
0x47: {  	_ =	shalt  }
0x48: {  	_ =	shalt  }
0x49: {  	_ =	shalt  }
0x4a: {  	_ =	shalt  }
0x4b: {  	_ =	shalt  }
0x4c: {  	_ =	shalt  }
0x4d: {  	_ =	shalt  }
0x4e: {  	_ =	shalt  }
0x4f: {  	_ =	shalt  }
0x50: {  	_ =	shalt  }
0x51: {  	_ =	shalt  }
0x52: {  	_ =	shalt  }
0x53: {  	_ =	shalt  }
0x54: {  	_ =	shalt  }
0x55: {  	_ =	shalt  }
0x56: {  	_ =	shalt  }
0x57: {  	_ =	shalt  }
0x58: {  	_ =	shalt  }
0x59: {  	_ =	shalt  }
0x5a: {  	_ =	shalt  }
0x5b: {  	_ =	shalt  }
0x5c: {  	_ =	shalt  }
0x5d: {  	_ =	shalt  }
0x5e: {  	_ =	shalt  }
0x5f: {  	_ =	shalt  }
0x60: {  	_ =	shalt  }
0x61: {  	_ =	shalt  }
0x62: {  	_ =	shalt  }
0x63: {  	_ =	shalt  }
0x64: {  	_ =	shalt  }
0x65: {  	_ =	shalt  }
0x66: {  	_ =	shalt  }
0x67: {  	_ =	shalt  }
0x68: {  	_ =	shalt  }
0x69: {  	_ =	shalt  }
0x6a: {  	_ =	shalt  }
0x6b: {  	_ =	shalt  }
0x6c: {  	_ =	shalt  }
0x6d: {  	_ =	shalt  }
0x6e: {  	_ =	shalt  }
0x6f: {  	_ =	shalt  }
0x70: {  	_ =	shalt  }
0x71: {  	_ =	shalt  }
0x72: {  	_ =	shalt  }
0x73: {  	_ =	shalt  }
0x74: {  	_ =	shalt  }
0x75: {  	_ =	shalt  }
0x76: {  	_ =	shalt  }
0x77: {  	_ =	shalt  }
0x78: {  	_ =	shalt  }
0x79: {  	_ =	shalt  }
0x7a: {  	_ =	shalt  }
0x7b: {  	_ =	shalt  }
0x7c: {  	_ =	shalt  }
0x7d: {  	_ =	shalt  }
0x7e: {  	_ =	shalt  }
0x7f: {  	_ =	shalt  }
0x80: {  	_ =	shalt  }
0x81: {  	_ =	shalt  }
0x82: {  	_ =	shalt  }
0x83: {  	_ =	shalt  }
0x84: {  	_ =	shalt  }
0x85: {  	_ =	shalt  }
0x86: {  	_ =	shalt  }
0x87: {  	_ =	shalt  }
.Lfunc_end0:
.L_simem_size_0:
called_computation_lowered:
.L_overlay_start_0:
0x88: {  	s2 =	sld [smem:$0x3FD9]  }
0x89: {  	s3 =	sld [smem:$0x3FFE];
	_ =	sdelay $0x1  }
0x8a: {  	s1 =	srdreg.scid  }
0x8b: {  	s0 =	sand.u32 $0x1, s1  }
0x8c: {  	s17 =	sshll.u32 s0, $0xA;
	s2 =	sadd.s32 s3, s2  }
0x8d: {  	s2 =	sadd.s32 s2, s17  }
0x8e: {  	[smem:$0x3FC5] =	sst s2  }
0x8f: {  	_ = 	snop  }
0x90: {  	s2 =	sld [smem:$0x3FD0];
	(tm) =	ssettm $0x1  }
0x91: {  	s18 =	sld [smem:$0x3FFB];
	_ =	sdelay $0x3  }
0x92: {  	_ =	strace s18  }
0x93: {  	s3 =	sld [smem:$0x3FFC];
	_ =	sdelay $0x3  }
0x94: {  	_ =	strace s3  }
0x95: {  	s3 =	sld [smem:$0x3FFD];
	_ =	sdelay $0x3  }
0x96: {  	_ =	strace s3  }
0x97: {  	_ =	strace $0x8FFFFFFF  }
0x98: {  	s19 =	sld [smem:$0x3FDB];
	_ =	sdelay $0x1  }
0x99: {  	s4 =	simm.s32 $_scs_section_size  }
0x9a: {  	s5 =	simm.s32 $_size__tile_overlayer_lowered;
	s6 =	simm.s32 $_tile_overlayer_lowered  }
0x9b: {  	s22 =	simm.s32 $0x1BFF;
	s21 =	sshll.u32 s6, $0x1;
	s3 =	sadd.s32 s4, s19  }
0x9c: {  	s7 =	simm.s32 $0x0;
	s20 =	sshll.u32 s5, $0x1;
	s5 =	sadd.s32 s21, s3  }
0x9d: {  	[timem:s7], [sflag:s22] =	dma.local [hbm:s5], s20  }
0x9e: {  	_ =	swait.ge [sflag:s22], s20  }
0x9f: {  	s4 =	ssub.s32 $0x0, s20;
	[sflag:s22] =	ssyncset.done $0x0  }
0xa0: {  	[sflag:s22] =	ssyncadd.s32 s4;
	_ =	sdelay $0x1  }
0xa1: {  	s23 =	simm.s32 $0x1B8B  }
0xa2: {  	_ =	swait.ge [sflag:s23], $0x1  }
0xa3: {  	[sflag:s23] =	ssyncset.done $0x0  }
0xa4: {  	s25 =	simm.s32 $0x1B8E;
	s24 =	sld [smem:$0x3FFE];
	[sflag:s23] =	ssyncadd.s32 $0xFFFFFFFF  }
0xa5: {  	s26 =	simm.s32 $execute0_lowered;
	[smem:$0x3FD2] =	sst s25  }
0xa6: {  	s5 =	sshll.u32 s26, $0x1;
	_ =	strace $0x80000046;
	[dreg:$0x1] =	wrdreg $0xFFFFFFFF  }
0xa7: {  	s28 =	simm.s32 $_size_execute0_lowered;
	s3 =	sadd.s32 s3, s5;
	[dreg:$0x0] =	wrdreg $0x0  }
0xa8: {  	s5 =	sshll.u32 s28, $0x1;
	[dreg:$0x2] =	wrdreg s3  }
0xa9: {  	[dreg:$0x3] =	wrdreg s5  }
0xaa: {  	[dreg:$0x4] =	wrdreg $0xC0  }
0xab: {  	_ =	task [dreg:s7], $0x5FFFF  }
0xac: {  	[dreg:$0x1] =	wrdreg $0xFFFFFFFF  }
0xad: {  	[dreg:$0x0] =	wrdreg $0x60  }
0xae: {  	[dreg:$0x2] =	wrdreg s24  }
0xaf: {  	[dreg:$0x3] =	wrdreg s2  }
0xb0: {  	[dreg:$0x4] =	wrdreg $0x9  }
0xb1: {  	_ =	task.clear_ibuf [dreg:s7], $0x5FFFF;
	_ =	strace $0x90000046  }
0xb2: {  	s29 =	simm.s32 $0x9;
	_ =	strace $0x80000048  }
0xb3: {  	_ =	swait.ge [sflag:s29], $0x1  }
0xb4: {  	[sflag:s29] =	ssyncadd.s32 $0xFFFFFFFF  }
0xb5: {  	_ =	strace $0x90000048  }
0xb6: {  	_ =	sfence  }
0xb7: {  	s30 =	sld [smem:$0x0];
	_ =	sdelay $0x2  }
0xb8: {  	s31 =	sshll.u32 s1, $0xD;
	s1 =	sshrl.u32 s1, $0x2  }
0xb9: {  	s3 =	sand.u32 $0x4000, s31;
	s1 =	sadd.s32 s1, s30  }
0xba: {  	s0 =	sor.u32 s3, s0;
	s1 =	sshll.u32 s1, $0x11  }
0xbb: {  	s0 =	sor.u32 s1, s0  }
0xbc: {  	s0 =	sadd.s32 $0x8F2B, s0  }
0xbd: {  	[sflag:s0] =	ssyncadd.remote.s32 $0x1  }
0xbe: {  	_ =	sfence.sel $0xFFFF  }
0xbf: {  	[dreg:$0x0] =	wrdreg $0xFFFFFFFF;
	(pc) =	sbr.abs _section_cstart, $3  }
0xc0: {  	[dreg:$0x1] =	wrdreg $0xFFFFFFFF  }
0xc1: {  	_ =	task.clear_ibuf [dreg:s7], $0x2FFFF;
	_ =	strace $0x9FFFFFFF  }
0xc2: {  	(tm) =	ssettm $0x7FFFFFFF  }
0xc3: {  	_ =	shalt  }
tec
execute0_lowered:
.L_overlay_start_1:
0x0: {  	(tag) =	ssettag $0x1  }
0x1: {  	s1 =	rddreg [dreg:$0x0]  }
0x2: {  	s3 =	rddreg [dreg:$0x1];
	s26 =	simm.s32 $0x0  }
0x3: {  	[smem:$0x7FF] =	sst s26;
	s19 =	sadd.s32 $0xF42C00, s1  }
0x4: {  	s23 =	sadd.s32 $0x1000, s3;
	_ =	strace $0x80000047;
	[dreg:$0x3] =	wrdreg s19  }
0x5: {  	s0 =	srdreg.scid;
	s24 =	sadd.s32 $0x2000, s3;
	[dreg:$0x7] =	wrdreg s23  }
0x6: {  	s2 =	stileid.u32;
	s25 =	sadd.s32 $0x3000, s3;
	[dreg:$0x8] =	wrdreg s24  }
0x7: {  	s0 =	sand.u32 $0x1, s0;
	s28 =	sadd.s32 $0x4000, s3;
	[dreg:$0x9] =	wrdreg s25  }
0x8: {  	s2 =	sshll.u32 s2, $0x1;
	s29 =	sadd.s32 $0x5000, s3;
	[dreg:$0xa] =	wrdreg s28  }
0x9: {  	s30 =	sadd.s32 $0x6000, s3;
	s31 =	sadd.s32 $0x7000, s3;
	[dreg:$0xb] =	wrdreg s29  }
0xa: {  	s2 =	sor.u32 s0, s2;
	s0 =	ssub.s32 $0x2, s0;
	[dreg:$0xc] =	wrdreg s30  }
0xb: {  	[dreg:$0xd] =	wrdreg s31;
	s4 =	smul.u32 $0xC80, s2;
	s20 =	sshrl.u32 s0, $0x1  }
.Ltmp0:
0xc: {  	s22 =	sshll.u32 s2, $0x7;
	s0 =	ssub.s32 s0, s20;
	(pc) =	sbr.rel .LBB2_1-.Ltmp0, $4  }
0xd: {  	[dreg:$0x6] =	wrdreg s22;
	s5 =	sadd.s32 s4, s1;
	s1 =	sadd.s32 $0x19800, s1  }
0xe: {  	s0 =	smax.u32 s0, $0x1;
	[dreg:$0x4] =	wrdreg s1  }
0xf: {  	v1 =	vlaneseq.u32;
	s19 =	simm.s32 $0xD600;
	s21 =	sadd.s32 $0x800, s5;
	[dreg:$0xe] =	wrdreg s0  }
0x10: {  	v0 =	vmul.u32 $0x41, v1;
	v1 =	vand.u32 $0x7, v1;
	s2 =	simm.s32 $0x0;
	[dreg:$0x5] =	wrdreg s21;
	s21 =	simm.s32 $0xF680  }
.LBB2_14:
0x11: {  	s0 =	simm.s32 $0x3  }
0x12: {  	_ =	swait.ge [sflag:s0], $0x400  }
0x13: {  	[sflag:s0] =	ssyncset.done $0x0  }
0x14: {  	[sflag:s0] =	ssyncadd.s32 $0xFFFFFC00  }
0x15: {  	_ =	swait.ge [sflag:s0], $0x400  }
0x16: {  	[sflag:s0] =	ssyncset.done $0x0  }
0x17: {  	[sflag:s0] =	ssyncadd.s32 $0xFFFFFC00  }
0x18: {  	_ =	swait.ge [sflag:s0], $0x400  }
0x19: {  	[sflag:s0] =	ssyncset.done $0x0  }
0x1a: {  	[sflag:s0] =	ssyncadd.s32 $0xFFFFFC00  }
0x1b: {  	_ =	swait.ge [sflag:s0], $0x400  }
0x1c: {  	[sflag:s0] =	ssyncset.done $0x0  }
0x1d: {  	[sflag:s0] =	ssyncadd.s32 $0xFFFFFC00  }
0x1e: {  	_ =	swait.ge [sflag:s0], $0x400  }
0x1f: {  	[sflag:s0] =	ssyncset.done $0x0  }
0x20: {  	[sflag:s0] =	ssyncadd.s32 $0xFFFFFC00  }
0x21: {  	_ =	swait.ge [sflag:s0], $0x400  }
0x22: {  	[sflag:s0] =	ssyncset.done $0x0  }
0x23: {  	[sflag:s0] =	ssyncadd.s32 $0xFFFFFC00  }
0x24: {  	_ =	swait.ge [sflag:s0], $0x400  }
0x25: {  	[sflag:s0] =	ssyncset.done $0x0  }
0x26: {  	[sflag:s0] =	ssyncadd.s32 $0xFFFFFC00  }
0x27: {  	_ =	swait.ge [sflag:s0], $0x400  }
0x28: {  	[sflag:s0] =	ssyncset.done $0x0  }
0x29: {  	s1 =	simm.s32 $0x4;
	[sflag:s0] =	ssyncadd.s32 $0xFFFFFC00  }
0x2a: {  	_ =	swait.ge [sflag:s1], $0x400  }
0x2b: {  	[sflag:s1] =	ssyncset.done $0x0  }
0x2c: {  	[sflag:s1] =	ssyncadd.s32 $0xFFFFFC00  }
0x2d: {  	_ =	swait.ge [sflag:s1], $0x400  }
0x2e: {  	[sflag:s1] =	ssyncset.done $0x0  }
0x2f: {  	[sflag:s1] =	ssyncadd.s32 $0xFFFFFC00  }
0x30: {  	_ =	swait.ge [sflag:s1], $0x400  }
0x31: {  	[sflag:s1] =	ssyncset.done $0x0  }
0x32: {  	[sflag:s1] =	ssyncadd.s32 $0xFFFFFC00  }
0x33: {  	_ =	swait.ge [sflag:s1], $0x400  }
0x34: {  	[sflag:s1] =	ssyncset.done $0x0  }
0x35: {  	[sflag:s1] =	ssyncadd.s32 $0xFFFFFC00  }
0x36: {  	_ =	swait.ge [sflag:s1], $0x400  }
0x37: {  	[sflag:s1] =	ssyncset.done $0x0  }
0x38: {  	[sflag:s1] =	ssyncadd.s32 $0xFFFFFC00  }
0x39: {  	_ =	swait.ge [sflag:s1], $0x400  }
0x3a: {  	[sflag:s1] =	ssyncset.done $0x0  }
0x3b: {  	[sflag:s1] =	ssyncadd.s32 $0xFFFFFC00  }
0x3c: {  	_ =	swait.ge [sflag:s1], $0x400  }
0x3d: {  	[sflag:s1] =	ssyncset.done $0x0  }
0x3e: {  	[sflag:s1] =	ssyncadd.s32 $0xFFFFFC00  }
0x3f: {  	_ =	swait.ge [sflag:s1], $0x400  }
0x40: {  	s2 =	rddreg [dreg:$0xf]  }
0x41: {  	s31 =	rddreg [dreg:$0xe];
	s2 =	sadd.s32 $0x1, s2  }
0x42: {  	p0 =	sne.s32 s2, s31  }
.Ltmp1:
0x43: {  	_ = 	snop;
	(pc) =	sbr.rel @!p0 .LBB2_15-.Ltmp1, $3  }
0x44: {  	_ =	sdelay $0x1  }
0x45: {  	[sflag:s1] =	ssyncset.done $0x0  }
0x46: {  	[sflag:s1] =	ssyncadd.s32 $0xFFFFFC00  }
.LBB2_1:
0x47: {  	[dreg:$0xf] =	wrdreg s2  }
0x48: {  	s0 =	rddreg [dreg:$0x5];
	s1 =	simm.s32 $0x5  }
0x49: {  	[tilespmem:s26], [sflag:$0x5] =	stream.linear.gather [hbm4b:s0+s26], $0x6400, $0x38;
	[tilespmem:$0x15700] =	vst v63  }
0x4a: {  	_ =	swait.ge [sflag:s1], $0x6400  }
0x4b: {  	[sflag:s1] =	ssyncset.done $0x0  }
0x4c: {  	s28 =	simm.s32 $0x6400;
	s25 =	rddreg [dreg:$0x4];
	[sflag:s1] =	ssyncadd.s32 $0xFFFF9C00  }
0x4d: {  	[tilespmem:s28], [sflag:$0x5] =	stream.linear.gather [hbm4b:s25+s26], $0x3200, $0x38;
	[tilespmem:$0x15700] =	vst v63  }
.Ltmp2:
0x4e: {  	_ = 	snop;
	(pc) =	sbr.rel .LBB2_2-.Ltmp2, $4  }
0x4f: {  	_ =	swait.ge [sflag:s1], $0x3200  }
0x50: {  	s30 =	simm.s32 $0x80;
	s31 =	simm.s32 $0x9600;
	[sflag:s1] =	ssyncset.done $0x0  }
0x51: {  	s6 =	simm.s32 $0x0;
	s29 =	rddreg [dreg:$0x3];
	[sflag:s1] =	ssyncadd.s32 $0xFFFFCE00  }
0x52: {  	[tilespmem:s31], [sflag:$0x1] =	stream.indirect.gather [hbm4b:s29+s30], $0x40, s26, s30, $0xb8;
	[tilespmem:$0x15700] =	vst v63  }
.LBB2_7:
0x53: {  	_ =	sdelay $0x1  }
0x54: {  	[tilespmem:s17+$0x11700] =	vst v7  }
0x55: {  	[tilespmem:s15+$0x11700] =	vst v8  }
0x56: {  	[tilespmem:s7+$0x11700] =	vst v9;
	v3 =	vld.idx.msk [tilespmem:v3+s19+$0x0], $0xffff  }
0x57: {  	s1 =	sor.u32 s29, s1;
	[tilespmem:s8+$0x11700] =	vst v10;
	v4 =	vld.idx.msk [tilespmem:v4+s19+$0x0], $0xffff  }
0x58: {  	[tilespmem:s1+$0x11700] =	vst v2;
	v2 =	vld.idx.msk [tilespmem:v6+s19+$0x0], $0xffff  }
0x59: {  	[tilespmem:s2+$0x11700] =	vst v11  }
0x5a: {  	v5 =	vld.idx.msk [tilespmem:v5+s19+$0x0], $0xffff;
	[tilespmem:s16+$0x11700] =	vst v12  }
0x5b: {  	[tilespmem:s6+$0x11700] =	vst v3  }
0x5c: {  	[tilespmem:s5+$0x11700] =	vst v4  }
0x5d: {  	[tilespmem:s24+$0x11700] =	vst v2  }
0x5e: {  	s11 =	sshll.u32 s3, $0xF;
	s0 =	sor.u32 s29, s0;
	s2 =	rddreg [dreg:$0x6]  }
0x5f: {  	s12 =	rddreg [dreg:$0x1];
	[tilespmem:s0+$0x11700] =	vst v5;
	s1 =	sor.u32 s2, s11  }
0x60: {  	s13 =	simm.s32 $0x11700;
	s14 =	rddreg [dreg:$0x7];
	s0 =	sadd.s32 s12, s1  }
0x61: {  	[hbm4b:s0+s26] =	stream.linear.scatter [tilespmem:s13], [sflag:$0x3], $0x400, $0x38;
	[tilespmem:$0x15700] =	vst v63  }
0x62: {  	s15 =	simm.s32 $0x11B00;
	s16 =	rddreg [dreg:$0x8];
	s0 =	sadd.s32 s1, s14  }
0x63: {  	[hbm4b:s0+s26] =	stream.linear.scatter [tilespmem:s15], [sflag:$0x3], $0x400, $0x38;
	[tilespmem:$0x15700] =	vst v63  }
0x64: {  	s17 =	simm.s32 $0x11F00;
	s18 =	rddreg [dreg:$0x9];
	s0 =	sadd.s32 s1, s16  }
0x65: {  	[hbm4b:s0+s26] =	stream.linear.scatter [tilespmem:s17], [sflag:$0x3], $0x400, $0x38;
	[tilespmem:$0x15700] =	vst v63  }
0x66: {  	s20 =	simm.s32 $0x12300;
	s22 =	rddreg [dreg:$0xa];
	s0 =	sadd.s32 s1, s18  }
0x67: {  	[hbm4b:s0+s26] =	stream.linear.scatter [tilespmem:s20], [sflag:$0x3], $0x400, $0x38;
	[tilespmem:$0x15700] =	vst v63  }
0x68: {  	s23 =	simm.s32 $0x12700;
	s24 =	rddreg [dreg:$0xb];
	s0 =	sadd.s32 s1, s22  }
0x69: {  	[hbm4b:s0+s26] =	stream.linear.scatter [tilespmem:s23], [sflag:$0x3], $0x400, $0x38;
	[tilespmem:$0x15700] =	vst v63  }
0x6a: {  	s25 =	simm.s32 $0x12B00;
	s28 =	rddreg [dreg:$0xc];
	s0 =	sadd.s32 s1, s24  }
0x6b: {  	[hbm4b:s0+s26] =	stream.linear.scatter [tilespmem:s25], [sflag:$0x3], $0x400, $0x38;
	[tilespmem:$0x15700] =	vst v63  }
0x6c: {  	s29 =	simm.s32 $0x12F00;
	s30 =	rddreg [dreg:$0xd];
	s0 =	sadd.s32 s1, s28  }
0x6d: {  	[hbm4b:s0+s26] =	stream.linear.scatter [tilespmem:s29], [sflag:$0x3], $0x400, $0x38;
	[tilespmem:$0x15700] =	vst v63  }
0x6e: {  	s31 =	simm.s32 $0x13300;
	s6 =	smov.u32 s3;
	s0 =	sadd.s32 s1, s30  }
0x6f: {  	[hbm4b:s0+s26] =	stream.linear.scatter [tilespmem:s31], [sflag:$0x3], $0x400, $0x38;
	[tilespmem:$0x15700] =	vst v63  }
.LBB2_13:
0x70: {  	s6 =	sadd.s32 $0x1, s6  }
0x71: {  	p0 =	sne.s32 s6, $0xC8  }
.Ltmp3:
0x72: {  	_ = 	snop;
	(pc) =	sbr.rel @!p0 .LBB2_14-.Ltmp3, $1  }
0x73: {  	_ =	sdelay $0x3  }
.LBB2_2:
0x74: {  	s0 =	sand.u32 $0x1, s6  }
0x75: {  	p0 =	seq.s32 s0, $0x1  }
.Ltmp4:
0x76: {  	_ = 	snop;
	(pc) =	sbr.rel @!p0 .LBB2_3-.Ltmp4, $1  }
0x77: {  	_ =	sdelay $0x3  }
0x78: {  	p0 =	seq.s32 s6, $0xC7  }
0x79: {  	s0 =	sshll.u32 @!p0 s6, $0x7  }
0x7a: {  	s3 =	rddreg [dreg:$0x3];
	s25 =	simm.s32 $0x2;
	s0 =	sadd.s32 @!p0 $0x80, s0  }
0x7b: {  	s1 =	simm.s32 @!p0 $0x80;
	s2 =	simm.s32 @!p0 $0x9600;
	s0 =	sand.u32 @!p0 $0xFF00, s0  }
0x7c: {  	[tilespmem:s2], [sflag:$0x1] =	stream.indirect.gather @!p0 [hbm4b:s3+s1], $0x40, s0, s1, $0xb8;
	[tilespmem:$0x15700] =	vst v63  }
0x7d: {  	_ =	swait.ge [sflag:s25], $0x2000  }
0x7e: {  	s26 =	sshll.u32 s6, $0x6;
	[sflag:s25] =	ssyncset.done $0x0  }
0x7f: {  	s0 =	sand.u32 $0x3FFFFFC0, s26;
	[sflag:s25] =	ssyncadd.s32 $0xFFFFE000  }
0x80: {  	v3 =	vld [tilespmem:s0+$0x6400]  }
0x81: {  	v4 =	vld [tilespmem:s0+$0x6410]  }
0x82: {  	v5 =	vld [tilespmem:s0+$0x6420]  }
0x83: {  	s31 =	simm.s32 $0xB700;
	v2 =	vld [tilespmem:s0+$0x6430]  }
0x84: {  	v6 =	vld [tilespmem:s31+$0xC0]  }
0x85: {  	v7 =	vld [tilespmem:s31+$0xFFFFFF40]  }
0x86: {  	v8 =	vld [tilespmem:s31+$0xFFFFFF80]  }
0x87: {  	v9 =	vld [tilespmem:s31+$0xFFFFFFC0]  }
0x88: {  	v10 =	vld [tilespmem:s31+$0x0]  }
0x89: {  	v11 =	vld [tilespmem:s31+$0x40];
	v6 =	vadd.f32 v6, v3  }
0x8a: {  	s28 =	simm.s32 $0xF784;
	v12 =	vld [tilespmem:s31+$0x80];
	v7 =	vadd.f32 v7, v3  }
0x8b: {  	v13 =	vld [tilespmem:s31+$0xFFFFFF00];
	v8 =	vadd.f32 v8, v3;
	[tilespmem:s28+$0xC3] =	vst v6  }
0x8c: {  	[tilespmem:s28+$0xFFFFFF3D] =	vst v7;
	v6 =	vadd.f32 v9, v3;
	v7 =	vld [tilespmem:s31+$0xD0]  }
0x8d: {  	[tilespmem:s28+$0xFFFFFF7E] =	vst v8;
	v8 =	vadd.f32 v10, v3;
	v9 =	vld [tilespmem:s31+$0xFFFFFF50]  }
0x8e: {  	v10 =	vld [tilespmem:s31+$0xFFFFFF90];
	[tilespmem:s28+$0xFFFFFFBF] =	vst v6;
	v6 =	vadd.f32 v11, v3  }
0x8f: {  	[tilespmem:s28+$0x0] =	vst v8;
	v8 =	vadd.f32 v12, v3;
	v11 =	vld [tilespmem:s31+$0xFFFFFFD0]  }
0x90: {  	v12 =	vadd.f32 v13, v3;
	v13 =	vld [tilespmem:s31+$0x10];
	[tilespmem:s28+$0x41] =	vst v6  }
0x91: {  	[tilespmem:s28+$0x82] =	vst v8;
	v6 =	vld [tilespmem:s31+$0x50];
	v7 =	vadd.f32 v7, v4  }
0x92: {  	[tilespmem:s28+$0xFFFFFEFC] =	vst v12;
	v8 =	vadd.f32 v9, v4;
	v9 =	vld [tilespmem:s31+$0x90]  }
0x93: {  	v12 =	vld [tilespmem:s31+$0xFFFFFF10];
	v10 =	vadd.f32 v10, v4;
	[tilespmem:s28+$0xD3] =	vst v7  }
0x94: {  	[tilespmem:s28+$0xFFFFFF4D] =	vst v8;
	v7 =	vadd.f32 v11, v4;
	v8 =	vld [tilespmem:s31+$0xE0]  }
0x95: {  	[tilespmem:s28+$0xFFFFFF8E] =	vst v10;
	v10 =	vadd.f32 v13, v4;
	v11 =	vld [tilespmem:s31+$0xFFFFFF60]  }
0x96: {  	v13 =	vld [tilespmem:s31+$0xFFFFFFA0];
	[tilespmem:s28+$0xFFFFFFCF] =	vst v7;
	v6 =	vadd.f32 v6, v4  }
0x97: {  	[tilespmem:s28+$0x10] =	vst v10;
	v7 =	vld [tilespmem:s31+$0xFFFFFFE0];
	v9 =	vadd.f32 v9, v4  }
0x98: {  	v10 =	vadd.f32 v12, v4;
	v12 =	vld [tilespmem:s31+$0x20];
	[tilespmem:s28+$0x51] =	vst v6  }
0x99: {  	v6 =	vld [tilespmem:s31+$0x60];
	[tilespmem:s28+$0x92] =	vst v9;
	v8 =	vadd.f32 v8, v5  }
0x9a: {  	[tilespmem:s28+$0xFFFFFF0C] =	vst v10;
	v9 =	vadd.f32 v11, v5;
	v10 =	vld [tilespmem:s31+$0xA0]  }
0x9b: {  	v11 =	vld [tilespmem:s31+$0xFFFFFF20];
	v13 =	vadd.f32 v13, v5;
	[tilespmem:s28+$0xE3] =	vst v8  }
0x9c: {  	[tilespmem:s28+$0xFFFFFF5D] =	vst v9;
	v7 =	vadd.f32 v7, v5;
	v9 =	vld [tilespmem:s31+$0xF0]  }
0x9d: {  	[tilespmem:s28+$0xFFFFFF9E] =	vst v13;
	v8 =	vadd.f32 v12, v5;
	v14 =	vld [tilespmem:s31+$0xFFFFFF70]  }
0x9e: {  	v13 =	vld [tilespmem:s31+$0xFFFFFFB0];
	[tilespmem:s28+$0xFFFFFFDF] =	vst v7;
	v7 =	vadd.f32 v6, v5  }
0x9f: {  	[tilespmem:s28+$0x20] =	vst v8;
	v6 =	vld [tilespmem:s31+$0xFFFFFFF0];
	v10 =	vadd.f32 v10, v5  }
0xa0: {  	v11 =	vadd.f32 v11, v5;
	v8 =	vld [tilespmem:s31+$0x30];
	[tilespmem:s28+$0x61] =	vst v7  }
0xa1: {  	v7 =	vld [tilespmem:s31+$0x70];
	[tilespmem:s28+$0xA2] =	vst v10;
	v15 =	vadd.f32 v9, v2  }
0xa2: {  	[tilespmem:s28+$0xFFFFFF1C] =	vst v11;
	v9 =	vld [tilespmem:s31+$0xB0];
	v12 =	vadd.f32 v14, v2  }
0xa3: {  	s29 =	simm.s32 $0x0;
	s30 =	simm.s32 $0xB900;
	v10 =	vld [tilespmem:s31+$0xFFFFFF30];
	v11 =	vadd.f32 v13, v2;
	[tilespmem:s28+$0xF3] =	vst v15  }
.LBB2_9:
0xa4: {  	v13 =	vld [tilespmem:s30+$0xC0];
	s29 =	sadd.s32 $0x8, s29;
	[tilespmem:s28+$0xFFFFFF6D] =	vst v12;
	v6 =	vadd.f32 v6, v2  }
0xa5: {  	v12 =	vld [tilespmem:s30+$0xFFFFFF40];
	p0 =	slt.u32 s29, $0x78;
	[tilespmem:s28+$0xFFFFFFAE] =	vst v11;
	v8 =	vadd.f32 v8, v2  }
0xa6: {  	v11 =	vld [tilespmem:s30+$0xFFFFFF80];
	[tilespmem:s28+$0xFFFFFFEF] =	vst v6;
	v6 =	vadd.f32 v7, v2  }
0xa7: {  	v7 =	vld [tilespmem:s30+$0xFFFFFFC0];
	[tilespmem:s28+$0x30] =	vst v8;
	v8 =	vadd.f32 v9, v2  }
0xa8: {  	v9 =	vld [tilespmem:s30+$0x0];
	v10 =	vadd.f32 v10, v2;
	[tilespmem:s28+$0x71] =	vst v6  }
0xa9: {  	v6 =	vld [tilespmem:s30+$0x40];
	v13 =	vadd.f32 v13, v3;
	[tilespmem:s28+$0xB2] =	vst v8  }
0xaa: {  	v8 =	vadd.f32 v12, v3;
	v12 =	vld [tilespmem:s30+$0x80];
	[tilespmem:s28+$0xFFFFFF2C] =	vst v10;
	s28 =	sadd.s32 $0x208, s28  }
0xab: {  	v10 =	vld [tilespmem:s30+$0xFFFFFF00];
	v11 =	vadd.f32 v11, v3;
	[tilespmem:s28+$0xC3] =	vst v13  }
0xac: {  	[tilespmem:s28+$0xFFFFFF3D] =	vst v8;
	v7 =	vadd.f32 v7, v3;
	v8 =	vld [tilespmem:s30+$0xD0]  }
0xad: {  	v13 =	vld [tilespmem:s30+$0xFFFFFF50];
	[tilespmem:s28+$0xFFFFFF7E] =	vst v11;
	v9 =	vadd.f32 v9, v3  }
0xae: {  	v11 =	vld [tilespmem:s30+$0xFFFFFF90];
	[tilespmem:s28+$0xFFFFFFBF] =	vst v7;
	v6 =	vadd.f32 v6, v3  }
0xaf: {  	v7 =	vld [tilespmem:s30+$0xFFFFFFD0];
	[tilespmem:s28+$0x0] =	vst v9;
	v9 =	vadd.f32 v12, v3  }
0xb0: {  	v10 =	vadd.f32 v10, v3;
	v12 =	vld [tilespmem:s30+$0x10];
	[tilespmem:s28+$0x41] =	vst v6  }
0xb1: {  	v6 =	vld [tilespmem:s30+$0x50];
	[tilespmem:s28+$0x82] =	vst v9;
	v8 =	vadd.f32 v8, v4  }
0xb2: {  	[tilespmem:s28+$0xFFFFFEFC] =	vst v10;
	v9 =	vadd.f32 v13, v4;
	v10 =	vld [tilespmem:s30+$0x90]  }
0xb3: {  	v13 =	vld [tilespmem:s30+$0xFFFFFF10];
	v11 =	vadd.f32 v11, v4;
	[tilespmem:s28+$0xD3] =	vst v8  }
0xb4: {  	[tilespmem:s28+$0xFFFFFF4D] =	vst v9;
	v7 =	vadd.f32 v7, v4;
	v8 =	vld [tilespmem:s30+$0xE0]  }
0xb5: {  	v9 =	vld [tilespmem:s30+$0xFFFFFF60];
	[tilespmem:s28+$0xFFFFFF8E] =	vst v11;
	v11 =	vadd.f32 v12, v4  }
0xb6: {  	v12 =	vld [tilespmem:s30+$0xFFFFFFA0];
	[tilespmem:s28+$0xFFFFFFCF] =	vst v7;
	v6 =	vadd.f32 v6, v4  }
0xb7: {  	v7 =	vld [tilespmem:s30+$0xFFFFFFE0];
	[tilespmem:s28+$0x10] =	vst v11;
	v10 =	vadd.f32 v10, v4  }
0xb8: {  	v11 =	vadd.f32 v13, v4;
	v13 =	vld [tilespmem:s30+$0x20];
	[tilespmem:s28+$0x51] =	vst v6  }
0xb9: {  	v6 =	vld [tilespmem:s30+$0x60];
	[tilespmem:s28+$0x92] =	vst v10;
	v8 =	vadd.f32 v8, v5  }
0xba: {  	[tilespmem:s28+$0xFFFFFF0C] =	vst v11;
	v9 =	vadd.f32 v9, v5;
	v10 =	vld [tilespmem:s30+$0xA0]  }
0xbb: {  	v11 =	vld [tilespmem:s30+$0xFFFFFF20];
	v12 =	vadd.f32 v12, v5;
	[tilespmem:s28+$0xE3] =	vst v8  }
0xbc: {  	[tilespmem:s28+$0xFFFFFF5D] =	vst v9;
	v7 =	vadd.f32 v7, v5;
	v9 =	vld [tilespmem:s30+$0xF0]  }
0xbd: {  	v14 =	vld [tilespmem:s30+$0xFFFFFF70];
	[tilespmem:s28+$0xFFFFFF9E] =	vst v12;
	v8 =	vadd.f32 v13, v5  }
0xbe: {  	v13 =	vld [tilespmem:s30+$0xFFFFFFB0];
	[tilespmem:s28+$0xFFFFFFDF] =	vst v7;
	v7 =	vadd.f32 v6, v5  }
.Ltmp5:
0xbf: {  	v6 =	vld [tilespmem:s30+$0xFFFFFFF0];
	[tilespmem:s28+$0x20] =	vst v8;
	v10 =	vadd.f32 v10, v5;
	(pc) =	sbr.rel @p0 .LBB2_9-.Ltmp5, $4  }
0xc0: {  	v11 =	vadd.f32 v11, v5;
	v8 =	vld [tilespmem:s30+$0x30];
	[tilespmem:s28+$0x61] =	vst v7  }
0xc1: {  	v7 =	vld [tilespmem:s30+$0x70];
	[tilespmem:s28+$0xA2] =	vst v10;
	v15 =	vadd.f32 v9, v2  }
0xc2: {  	[tilespmem:s28+$0xFFFFFF1C] =	vst v11;
	v12 =	vadd.f32 v14, v2;
	v9 =	vld [tilespmem:s30+$0xB0]  }
0xc3: {  	v10 =	vld [tilespmem:s30+$0xFFFFFF30];
	v11 =	vadd.f32 v13, v2;
	[tilespmem:s28+$0xF3] =	vst v15;
	s30 =	sadd.s32 $0x200, s30  }
0xc4: {  	[tilespmem:s28+$0xFFFFFF6D] =	vst v12;
	v3 =	vadd.f32 v6, v2  }
0xc5: {  	[tilespmem:s28+$0xFFFFFFAE] =	vst v11;
	v4 =	vadd.f32 v8, v2  }
0xc6: {  	[tilespmem:s28+$0xFFFFFFEF] =	vst v3;
	v3 =	vadd.f32 v7, v2  }
0xc7: {  	[tilespmem:s28+$0x30] =	vst v4;
	v4 =	vadd.f32 v9, v2  }
0xc8: {  	[tilespmem:s28+$0x71] =	vst v3  }
0xc9: {  	v2 =	vadd.f32 v10, v2;
	[tilespmem:s28+$0xB2] =	vst v4  }
0xca: {  	p0 =	slt.u32 s6, $0x2;
	[dreg:$0x10] =	wrdreg s6  }
0xcb: {  	s0 =	simm.s32 @!p0 $0x4;
	[tilespmem:s28+$0xFFFFFF2C] =	vst v2  }
0xcc: {  	_ =	swait.ge @!p0 [sflag:s0], $0x400  }
0xcd: {  	[sflag:s0] =	ssyncset.done @!p0 $0x0  }
0xce: {  	[sflag:s0] =	ssyncadd.s32 @!p0 $0xFFFFFC00  }
0xcf: {  	_ =	swait.ge @!p0 [sflag:s0], $0x400  }
0xd0: {  	[sflag:s0] =	ssyncset.done @!p0 $0x0  }
0xd1: {  	[sflag:s0] =	ssyncadd.s32 @!p0 $0xFFFFFC00  }
0xd2: {  	_ =	swait.ge @!p0 [sflag:s0], $0x400  }
0xd3: {  	[sflag:s0] =	ssyncset.done @!p0 $0x0  }
0xd4: {  	[sflag:s0] =	ssyncadd.s32 @!p0 $0xFFFFFC00  }
0xd5: {  	_ =	swait.ge @!p0 [sflag:s0], $0x400  }
0xd6: {  	[sflag:s0] =	ssyncset.done @!p0 $0x0  }
0xd7: {  	[sflag:s0] =	ssyncadd.s32 @!p0 $0xFFFFFC00  }
0xd8: {  	_ =	swait.ge @!p0 [sflag:s0], $0x400  }
0xd9: {  	[sflag:s0] =	ssyncset.done @!p0 $0x0  }
0xda: {  	[sflag:s0] =	ssyncadd.s32 @!p0 $0xFFFFFC00  }
0xdb: {  	_ =	swait.ge @!p0 [sflag:s0], $0x400  }
0xdc: {  	[sflag:s0] =	ssyncset.done @!p0 $0x0  }
0xdd: {  	[sflag:s0] =	ssyncadd.s32 @!p0 $0xFFFFFC00  }
0xde: {  	_ =	swait.ge @!p0 [sflag:s0], $0x400  }
0xdf: {  	[sflag:s0] =	ssyncset.done @!p0 $0x0  }
0xe0: {  	[sflag:s0] =	ssyncadd.s32 @!p0 $0xFFFFFC00  }
0xe1: {  	_ =	swait.ge @!p0 [sflag:s0], $0x400  }
0xe2: {  	s1 =	simm.s32 $0x0;
	s28 =	simm.s32 $0x0;
	[sflag:s0] =	ssyncset.done @!p0 $0x0  }
0xe3: {  	s1 =	smul.u32 $0x410, s1;
	[sflag:s0] =	ssyncadd.s32 @!p0 $0xFFFFFC00;
	s0 =	sand.u32 $0x30, s28  }
0xe4: {  	s2 =	sor.u32 $0x1, s0;
	s4 =	sor.u32 $0x2, s0;
	s5 =	sor.u32 $0x8, s0  }
0xe5: {  	s24 =	sadd.s32 s0, s1;
	s7 =	sor.u32 $0x3, s0;
	s9 =	sor.u32 $0x4, s0  }
0xe6: {  	s10 =	sor.u32 $0x5, s0;
	s11 =	sor.u32 $0x6, s0;
	s6 =	sor.u32 $0x7, s0  }
0xe7: {  	s12 =	sor.u32 $0xA, s0;
	s8 =	sadd.s32 s5, s1;
	s16 =	sadd.s32 s2, s1  }
0xe8: {  	s13 =	sor.u32 $0xB, s0;
	s14 =	sor.u32 $0xC, s0;
	s25 =	sadd.s32 s4, s1;
	v2 =	vadd.s32 s8, v0;
	v4 =	vadd.s32 s16, v0  }
0xe9: {  	s15 =	sor.u32 $0xD, s0;
	s17 =	sor.u32 $0xE, s0;
	s18 =	sor.u32 $0xF, s0;
	v3 =	vadd.s32 s24, v0;
	v5 =	vadd.s32 s25, v0;
	v2 =	vand.u32 $0x7FFFFFF8, v2  }
0xea: {  	s20 =	sadd.s32 s7, s1;
	s22 =	sadd.s32 s9, s1;
	s26 =	sadd.s32 s10, s1;
	v3 =	vand.u32 $0x7FFFFFF8, v3;
	v2 =	vor.u32 v1, v2  }
0xeb: {  	s23 =	sadd.s32 s11, s1;
	s24 =	sadd.s32 s6, s1;
	s30 =	sadd.s32 s13, s1;
	v3 =	vor.u32 v1, v3  }
0xec: {  	s31 =	sadd.s32 s15, s1;
	s3 =	sadd.s32 s17, s1;
	s2 =	sshll.u32 s2, $0x7;
	v6 =	vadd.s32 s20, v0  }
0xed: {  	s4 =	sshll.u32 s4, $0x7;
	s7 =	sshll.u32 s7, $0x7;
	s9 =	sshll.u32 s9, $0x7;
	v7 =	vadd.s32 s22, v0;
	v4 =	vld.idx.msk [tilespmem:v4+s21+$0x0], $0xffff  }
0xee: {  	s10 =	sshll.u32 s10, $0x7;
	s11 =	sshll.u32 s11, $0x7;
	s6 =	sshll.u32 s6, $0x7;
	v9 =	vadd.s32 s26, v0;
	v5 =	vld.idx.msk [tilespmem:v5+s21+$0x0], $0xffff  }
0xef: {  	s13 =	sshll.u32 s13, $0x7;
	s8 =	sor.u32 $0x9, s0;
	s25 =	sadd.s32 s12, s1;
	v10 =	vadd.s32 s24, v0;
	v8 =	vld.idx.msk [tilespmem:v2+s21+$0x0], $0xffff  }
0xf0: {  	s22 =	sadd.s32 s14, s1;
	s26 =	sadd.s32 s18, s1;
	s20 =	sadd.s32 s8, s1;
	v2 =	vld.idx.msk [tilespmem:v3+s21+$0x0], $0xffff;
	v3 =	vadd.s32 s23, v0  }
0xf1: {  	s16 =	sand.u32 $0x1C0, s28;
	s12 =	sshll.u32 s12, $0x7;
	s14 =	sshll.u32 s14, $0x7;
	v11 =	vadd.s32 s20, v0;
	v12 =	vld.idx.msk [tilespmem:v6+s21+$0x0], $0xffff  }
0xf2: {  	s29 =	sshrl.u32 s16, $0x2;
	s24 =	sshll.u32 s8, $0x7;
	v13 =	vadd.s32 s25, v0;
	s20 =	sshll.u32 s15, $0x7;
	v14 =	vld.idx.msk [tilespmem:v7+s21+$0x0], $0xffff  }
0xf3: {  	v15 =	vadd.s32 s30, v0;
	s2 =	sor.u32 s29, s2;
	s25 =	sor.u32 s29, s4;
	v7 =	vld.idx.msk [tilespmem:v9+s21+$0x0], $0xffff;
	s23 =	sshll.u32 s5, $0x7  }
0xf4: {  	s30 =	sor.u32 s29, s7;
	s9 =	sor.u32 s29, s9;
	v9 =	vld.idx.msk [tilespmem:v10+s21+$0x0], $0xffff;
	v6 =	vadd.s32 s22, v0;
	s1 =	sor.u32 s29, s23;
	[tilespmem:s2+$0x13700] =	vst v4  }
0xf5: {  	s7 =	sor.u32 s29, s6;
	s8 =	sor.u32 s29, s24;
	s15 =	sor.u32 s29, s12;
	[tilespmem:s1+$0x13700] =	vst v8;
	v8 =	vld.idx.msk [tilespmem:v3+s21+$0x0], $0xffff;
	v3 =	vadd.s32 s31, v0  }
0xf6: {  	s16 =	sor.u32 s29, s13;
	s24 =	sor.u32 s29, s14;
	v10 =	vld.idx.msk [tilespmem:v11+s21+$0x0], $0xffff;
	s23 =	sshll.u32 s17, $0x7;
	[tilespmem:s25+$0x13700] =	vst v5;
	v4 =	vadd.s32 s3, v0  }
0xf7: {  	s6 =	sor.u32 s29, s20;
	v11 =	vld.idx.msk [tilespmem:v13+s21+$0x0], $0xffff;
	s17 =	sor.u32 s29, s10;
	s5 =	sor.u32 s29, s23;
	[tilespmem:s30+$0x13700] =	vst v12;
	v5 =	vadd.s32 s26, v0  }
0xf8: {  	s2 =	sor.u32 s29, s11;
	[tilespmem:s9+$0x13700] =	vst v14;
	v12 =	vld.idx.msk [tilespmem:v15+s21+$0x0], $0xffff;
	s1 =	sshll.u32 s0, $0x7;
	s0 =	sshll.u32 s18, $0x7  }
.LBB2_11:
0xf9: {  	s28 =	sadd.s32 $0x10, s28;
	s1 =	sor.u32 s29, s1;
	[tilespmem:s17+$0x13700] =	vst v7;
	v6 =	vld.idx.msk [tilespmem:v6+s21+$0x0], $0xffff;
	s3 =	sor.u32 s29, s0  }
0xfa: {  	s0 =	sshrl.u32 s28, $0x6;
	p0 =	slt.u32 s28, $0x1F0;
	[tilespmem:s1+$0x13700] =	vst v2;
	v2 =	vld.idx.msk [tilespmem:v3+s21+$0x0], $0xffff;
	s30 =	sand.u32 $0x30, s28  }
0xfb: {  	s29 =	smul.u32 $0x410, s0;
	[tilespmem:s2+$0x13700] =	vst v8;
	v3 =	vld.idx.msk [tilespmem:v4+s21+$0x0], $0xffff;
	s1 =	sor.u32 $0x1, s30  }
0xfc: {  	s2 =	sor.u32 $0x2, s30;
	s0 =	sor.u32 $0x8, s30;
	s18 =	sor.u32 $0x3, s30;
	[tilespmem:s7+$0x13700] =	vst v9;
	v4 =	vld.idx.msk [tilespmem:v5+s21+$0x0], $0xffff  }
0xfd: {  	s25 =	sor.u32 $0x6, s30;
	s4 =	sadd.s32 s30, s29;
	s9 =	sadd.s32 s0, s29;
	[tilespmem:s8+$0x13700] =	vst v10  }
0xfe: {  	s31 =	sor.u32 $0x9, s30;
	s7 =	sor.u32 $0x4, s30;
	s8 =	sor.u32 $0x5, s30;
	v5 =	vadd.s32 s4, v0;
	v7 =	vadd.s32 s9, v0;
	[tilespmem:s15+$0x13700] =	vst v11  }
0xff: {  	s17 =	sor.u32 $0x7, s30;
	s20 =	sor.u32 $0xB, s30;
	s15 =	sor.u32 $0xA, s30;
	v5 =	vand.u32 $0x7FFFFFF8, v5;
	v7 =	vand.u32 $0x7FFFFFF8, v7;
	[tilespmem:s16+$0x13700] =	vst v12  }
0x100: {  	s22 =	sor.u32 $0xC, s30;
	s23 =	sor.u32 $0xD, s30;
	s11 =	sshll.u32 s20, $0x7;
	v5 =	vor.u32 v1, v5;
	v7 =	vor.u32 v1, v7;
	[tilespmem:s24+$0x13700] =	vst v6  }
0x101: {  	s4 =	sadd.s32 s1, s29;
	s16 =	sor.u32 $0xF, s30;
	s24 =	sor.u32 $0xE, s30;
	[tilespmem:s6+$0x13700] =	vst v2  }
0x102: {  	s9 =	sadd.s32 s7, s29;
	v8 =	vadd.s32 s4, v0;
	s4 =	sadd.s32 s2, s29;
	s6 =	sadd.s32 s18, s29;
	[tilespmem:s5+$0x13700] =	vst v3  }
0x103: {  	v11 =	vadd.s32 s9, v0;
	v9 =	vadd.s32 s4, v0;
	s4 =	sadd.s32 s8, s29;
	v10 =	vadd.s32 s6, v0;
	s5 =	sadd.s32 s25, s29;
	s6 =	sadd.s32 s17, s29;
	[tilespmem:s3+$0x13700] =	vst v4  }
0x104: {  	v12 =	vadd.s32 s4, v0;
	s4 =	sadd.s32 s15, s29;
	v13 =	vadd.s32 s5, v0;
	v14 =	vadd.s32 s6, v0;
	s3 =	sadd.s32 s31, s29;
	s5 =	sadd.s32 s20, s29  }
0x105: {  	v17 =	vadd.s32 s4, v0;
	s4 =	sadd.s32 s23, s29;
	v16 =	vadd.s32 s3, v0;
	v18 =	vadd.s32 s5, v0;
	s3 =	sadd.s32 s22, s29;
	s5 =	sadd.s32 s24, s29;
	v15 =	vld.idx.msk [tilespmem:v7+s21+$0x0], $0xffff  }
0x106: {  	s2 =	sshll.u32 s2, $0x7;
	s6 =	sshll.u32 s1, $0x7;
	v3 =	vadd.s32 s4, v0;
	s1 =	sadd.s32 s16, s29;
	v6 =	vadd.s32 s3, v0;
	v4 =	vadd.s32 s5, v0;
	v2 =	vld.idx.msk [tilespmem:v5+s21+$0x0], $0xffff  }
0x107: {  	s4 =	sshll.u32 s7, $0x7;
	s3 =	sshll.u32 s18, $0x7;
	s5 =	sshll.u32 s8, $0x7;
	v5 =	vadd.s32 s1, v0;
	v19 =	vld.idx.msk [tilespmem:v8+s21+$0x0], $0xffff  }
0x108: {  	s7 =	sshll.u32 s25, $0x7;
	s8 =	sshll.u32 s17, $0x7;
	s1 =	sand.u32 $0x1C0, s28;
	v20 =	vld.idx.msk [tilespmem:v9+s21+$0x0], $0xffff  }
0x109: {  	s0 =	sshll.u32 s0, $0x7;
	s9 =	sshll.u32 s31, $0x7;
	s29 =	sshrl.u32 s1, $0x2;
	v21 =	vld.idx.msk [tilespmem:v10+s21+$0x0], $0xffff  }
0x10a: {  	s12 =	sshll.u32 s22, $0x7;
	s10 =	sshll.u32 s15, $0x7;
	s0 =	sor.u32 s29, s0;
	v22 =	vld.idx.msk [tilespmem:v11+s21+$0x0], $0xffff  }
0x10b: {  	s13 =	sshll.u32 s23, $0x7;
	s14 =	sshll.u32 s24, $0x7;
	s1 =	sshll.u32 s30, $0x7;
	v7 =	vld.idx.msk [tilespmem:v12+s21+$0x0], $0xffff;
	[tilespmem:s0+$0x13700] =	vst v15  }
.Ltmp6:
0x10c: {  	s6 =	sor.u32 s29, s6;
	s0 =	sshll.u32 s16, $0x7;
	v8 =	vld.idx.msk [tilespmem:v13+s21+$0x0], $0xffff;
	(pc) =	sbr.rel @p0 .LBB2_11-.Ltmp6, $4  }
0x10d: {  	s2 =	sor.u32 s29, s2;
	s3 =	sor.u32 s29, s3;
	s4 =	sor.u32 s29, s4;
	[tilespmem:s6+$0x13700] =	vst v19;
	v9 =	vld.idx.msk [tilespmem:v14+s21+$0x0], $0xffff  }
0x10e: {  	s17 =	sor.u32 s29, s5;
	[tilespmem:s2+$0x13700] =	vst v20;
	s2 =	sor.u32 s29, s7;
	s7 =	sor.u32 s29, s8;
	v10 =	vld.idx.msk [tilespmem:v16+s21+$0x0], $0xffff  }
0x10f: {  	s15 =	sor.u32 s29, s10;
	s16 =	sor.u32 s29, s11;
	s8 =	sor.u32 s29, s9;
	[tilespmem:s3+$0x13700] =	vst v21;
	v11 =	vld.idx.msk [tilespmem:v17+s21+$0x0], $0xffff  }
0x110: {  	s24 =	sor.u32 s29, s12;
	s5 =	sor.u32 s29, s14;
	s6 =	sor.u32 s29, s13;
	[tilespmem:s4+$0x13700] =	vst v22;
	v12 =	vld.idx.msk [tilespmem:v18+s21+$0x0], $0xffff  }
0x111: {  	_ =	sdelay $0x1  }
0x112: {  	[tilespmem:s17+$0x13700] =	vst v7  }
0x113: {  	s1 =	sor.u32 s29, s1;
	[tilespmem:s2+$0x13700] =	vst v8  }
0x114: {  	v3 =	vld.idx.msk [tilespmem:v3+s21+$0x0], $0xffff;
	[tilespmem:s1+$0x13700] =	vst v2  }
0x115: {  	v2 =	vld.idx.msk [tilespmem:v6+s21+$0x0], $0xffff;
	[tilespmem:s7+$0x13700] =	vst v9  }
0x116: {  	v4 =	vld.idx.msk [tilespmem:v4+s21+$0x0], $0xffff;
	[tilespmem:s8+$0x13700] =	vst v10  }
0x117: {  	[tilespmem:s15+$0x13700] =	vst v11  }
0x118: {  	v5 =	vld.idx.msk [tilespmem:v5+s21+$0x0], $0xffff;
	[tilespmem:s16+$0x13700] =	vst v12  }
0x119: {  	[tilespmem:s6+$0x13700] =	vst v3  }
0x11a: {  	[tilespmem:s24+$0x13700] =	vst v2  }
0x11b: {  	s6 =	rddreg [dreg:$0x10];
	[tilespmem:s5+$0x13700] =	vst v4  }
0x11c: {  	s0 =	sor.u32 s29, s0;
	s11 =	sshll.u32 s6, $0xF;
	s2 =	rddreg [dreg:$0x6]  }
0x11d: {  	s3 =	rddreg [dreg:$0x1];
	s26 =	simm.s32 $0x0;
	[tilespmem:s0+$0x13700] =	vst v5;
	s1 =	sor.u32 s2, s11  }
0x11e: {  	s13 =	simm.s32 $0x13700;
	s14 =	rddreg [dreg:$0x7];
	s12 =	sadd.s32 s3, s1  }
0x11f: {  	[hbm4b:s12+s26] =	stream.linear.scatter [tilespmem:s13], [sflag:$0x4], $0x400, $0x38;
	[tilespmem:$0x15700] =	vst v63  }
0x120: {  	s15 =	simm.s32 $0x13B00;
	s16 =	rddreg [dreg:$0x8];
	s0 =	sadd.s32 s1, s14  }
0x121: {  	[hbm4b:s0+s26] =	stream.linear.scatter [tilespmem:s15], [sflag:$0x4], $0x400, $0x38;
	[tilespmem:$0x15700] =	vst v63  }
0x122: {  	s17 =	simm.s32 $0x13F00;
	s18 =	rddreg [dreg:$0x9];
	s0 =	sadd.s32 s1, s16  }
0x123: {  	[hbm4b:s0+s26] =	stream.linear.scatter [tilespmem:s17], [sflag:$0x4], $0x400, $0x38;
	[tilespmem:$0x15700] =	vst v63  }
0x124: {  	s20 =	simm.s32 $0x14300;
	s22 =	rddreg [dreg:$0xa];
	s0 =	sadd.s32 s1, s18  }
0x125: {  	[hbm4b:s0+s26] =	stream.linear.scatter [tilespmem:s20], [sflag:$0x4], $0x400, $0x38;
	[tilespmem:$0x15700] =	vst v63  }
0x126: {  	s23 =	simm.s32 $0x14700;
	s24 =	rddreg [dreg:$0xb];
	s0 =	sadd.s32 s1, s22  }
0x127: {  	[hbm4b:s0+s26] =	stream.linear.scatter [tilespmem:s23], [sflag:$0x4], $0x400, $0x38;
	[tilespmem:$0x15700] =	vst v63  }
0x128: {  	s25 =	simm.s32 $0x14B00;
	s0 =	sadd.s32 s1, s24  }
0x129: {  	[hbm4b:s0+s26] =	stream.linear.scatter [tilespmem:s25], [sflag:$0x4], $0x400, $0x38;
	[tilespmem:$0x15700] =	vst v63  }
.Ltmp7:
0x12a: {  	s28 =	rddreg [dreg:$0xc];
	(pc) =	sbr.rel .LBB2_13-.Ltmp7, $4  }
0x12b: {  	s29 =	simm.s32 $0x14F00;
	s30 =	rddreg [dreg:$0xd];
	s0 =	sadd.s32 s1, s28  }
0x12c: {  	[hbm4b:s0+s26] =	stream.linear.scatter [tilespmem:s29], [sflag:$0x4], $0x400, $0x38;
	[tilespmem:$0x15700] =	vst v63  }
0x12d: {  	s31 =	simm.s32 $0x15300;
	s0 =	sadd.s32 s1, s30  }
0x12e: {  	[hbm4b:s0+s26] =	stream.linear.scatter [tilespmem:s31], [sflag:$0x4], $0x400, $0x38;
	[tilespmem:$0x15700] =	vst v63  }
.LBB2_3:
0x12f: {  	s0 =	sshll.u32 s6, $0x7  }
0x130: {  	s1 =	rddreg [dreg:$0x3];
	s2 =	simm.s32 $0x80;
	s0 =	sand.u32 $0x7F00, s0  }
0x131: {  	s4 =	simm.s32 $0xB600;
	s24 =	simm.s32 $0x1;
	s0 =	sor.u32 $0x80, s0  }
0x132: {  	[tilespmem:s4], [sflag:$0x2] =	stream.indirect.gather [hbm4b:s1+s2], $0x40, s0, s2, $0xb8;
	[tilespmem:$0x15700] =	vst v63  }
0x133: {  	_ =	swait.ge [sflag:s24], $0x2000  }
0x134: {  	s25 =	sshll.u32 s6, $0x6;
	[sflag:s24] =	ssyncset.done $0x0  }
0x135: {  	s0 =	sand.u32 $0x3FFFFFC0, s25;
	[sflag:s24] =	ssyncadd.s32 $0xFFFFE000  }
0x136: {  	v3 =	vld [tilespmem:s0+$0x6400]  }
0x137: {  	v4 =	vld [tilespmem:s0+$0x6410]  }
0x138: {  	v5 =	vld [tilespmem:s0+$0x6420]  }
0x139: {  	s31 =	simm.s32 $0x9700;
	v2 =	vld [tilespmem:s0+$0x6430]  }
0x13a: {  	v6 =	vld [tilespmem:s31+$0xC0]  }
0x13b: {  	v7 =	vld [tilespmem:s31+$0xFFFFFF40]  }
0x13c: {  	v8 =	vld [tilespmem:s31+$0xFFFFFF80]  }
0x13d: {  	v9 =	vld [tilespmem:s31+$0xFFFFFFC0]  }
0x13e: {  	v10 =	vld [tilespmem:s31+$0x0]  }
0x13f: {  	v11 =	vld [tilespmem:s31+$0x40];
	v6 =	vadd.f32 v6, v3  }
0x140: {  	s28 =	simm.s32 $0xD704;
	v12 =	vld [tilespmem:s31+$0x80];
	v7 =	vadd.f32 v7, v3  }
0x141: {  	v13 =	vld [tilespmem:s31+$0xFFFFFF00];
	v8 =	vadd.f32 v8, v3;
	[tilespmem:s28+$0xC3] =	vst v6  }
0x142: {  	[tilespmem:s28+$0xFFFFFF3D] =	vst v7;
	v6 =	vadd.f32 v9, v3;
	v7 =	vld [tilespmem:s31+$0xD0]  }
0x143: {  	[tilespmem:s28+$0xFFFFFF7E] =	vst v8;
	v8 =	vadd.f32 v10, v3;
	v9 =	vld [tilespmem:s31+$0xFFFFFF50]  }
0x144: {  	v10 =	vld [tilespmem:s31+$0xFFFFFF90];
	[tilespmem:s28+$0xFFFFFFBF] =	vst v6;
	v6 =	vadd.f32 v11, v3  }
0x145: {  	[tilespmem:s28+$0x0] =	vst v8;
	v8 =	vadd.f32 v12, v3;
	v11 =	vld [tilespmem:s31+$0xFFFFFFD0]  }
0x146: {  	v12 =	vadd.f32 v13, v3;
	v13 =	vld [tilespmem:s31+$0x10];
	[tilespmem:s28+$0x41] =	vst v6  }
0x147: {  	[tilespmem:s28+$0x82] =	vst v8;
	v6 =	vld [tilespmem:s31+$0x50];
	v7 =	vadd.f32 v7, v4  }
0x148: {  	[tilespmem:s28+$0xFFFFFEFC] =	vst v12;
	v8 =	vadd.f32 v9, v4;
	v9 =	vld [tilespmem:s31+$0x90]  }
0x149: {  	v12 =	vld [tilespmem:s31+$0xFFFFFF10];
	v10 =	vadd.f32 v10, v4;
	[tilespmem:s28+$0xD3] =	vst v7  }
0x14a: {  	[tilespmem:s28+$0xFFFFFF4D] =	vst v8;
	v7 =	vadd.f32 v11, v4;
	v8 =	vld [tilespmem:s31+$0xE0]  }
0x14b: {  	[tilespmem:s28+$0xFFFFFF8E] =	vst v10;
	v10 =	vadd.f32 v13, v4;
	v11 =	vld [tilespmem:s31+$0xFFFFFF60]  }
0x14c: {  	v13 =	vld [tilespmem:s31+$0xFFFFFFA0];
	[tilespmem:s28+$0xFFFFFFCF] =	vst v7;
	v6 =	vadd.f32 v6, v4  }
0x14d: {  	[tilespmem:s28+$0x10] =	vst v10;
	v7 =	vld [tilespmem:s31+$0xFFFFFFE0];
	v9 =	vadd.f32 v9, v4  }
0x14e: {  	v10 =	vadd.f32 v12, v4;
	v12 =	vld [tilespmem:s31+$0x20];
	[tilespmem:s28+$0x51] =	vst v6  }
0x14f: {  	v6 =	vld [tilespmem:s31+$0x60];
	[tilespmem:s28+$0x92] =	vst v9;
	v8 =	vadd.f32 v8, v5  }
0x150: {  	[tilespmem:s28+$0xFFFFFF0C] =	vst v10;
	v9 =	vadd.f32 v11, v5;
	v10 =	vld [tilespmem:s31+$0xA0]  }
0x151: {  	v11 =	vld [tilespmem:s31+$0xFFFFFF20];
	v13 =	vadd.f32 v13, v5;
	[tilespmem:s28+$0xE3] =	vst v8  }
0x152: {  	[tilespmem:s28+$0xFFFFFF5D] =	vst v9;
	v7 =	vadd.f32 v7, v5;
	v9 =	vld [tilespmem:s31+$0xF0]  }
0x153: {  	[tilespmem:s28+$0xFFFFFF9E] =	vst v13;
	v8 =	vadd.f32 v12, v5;
	v14 =	vld [tilespmem:s31+$0xFFFFFF70]  }
0x154: {  	v13 =	vld [tilespmem:s31+$0xFFFFFFB0];
	[tilespmem:s28+$0xFFFFFFDF] =	vst v7;
	v7 =	vadd.f32 v6, v5  }
0x155: {  	[tilespmem:s28+$0x20] =	vst v8;
	v6 =	vld [tilespmem:s31+$0xFFFFFFF0];
	v10 =	vadd.f32 v10, v5  }
0x156: {  	v11 =	vadd.f32 v11, v5;
	v8 =	vld [tilespmem:s31+$0x30];
	[tilespmem:s28+$0x61] =	vst v7  }
0x157: {  	v7 =	vld [tilespmem:s31+$0x70];
	[tilespmem:s28+$0xA2] =	vst v10;
	v15 =	vadd.f32 v9, v2  }
0x158: {  	[tilespmem:s28+$0xFFFFFF1C] =	vst v11;
	v9 =	vld [tilespmem:s31+$0xB0];
	v12 =	vadd.f32 v14, v2  }
0x159: {  	s29 =	simm.s32 $0x0;
	s30 =	simm.s32 $0x9900;
	v10 =	vld [tilespmem:s31+$0xFFFFFF30];
	v11 =	vadd.f32 v13, v2;
	[tilespmem:s28+$0xF3] =	vst v15  }
.LBB2_4:
0x15a: {  	v13 =	vld [tilespmem:s30+$0xC0];
	s29 =	sadd.s32 $0x8, s29;
	[tilespmem:s28+$0xFFFFFF6D] =	vst v12;
	v6 =	vadd.f32 v6, v2  }
0x15b: {  	v12 =	vld [tilespmem:s30+$0xFFFFFF40];
	p0 =	slt.u32 s29, $0x78;
	[tilespmem:s28+$0xFFFFFFAE] =	vst v11;
	v8 =	vadd.f32 v8, v2  }
0x15c: {  	v11 =	vld [tilespmem:s30+$0xFFFFFF80];
	[tilespmem:s28+$0xFFFFFFEF] =	vst v6;
	v6 =	vadd.f32 v7, v2  }
0x15d: {  	v7 =	vld [tilespmem:s30+$0xFFFFFFC0];
	[tilespmem:s28+$0x30] =	vst v8;
	v8 =	vadd.f32 v9, v2  }
0x15e: {  	v9 =	vld [tilespmem:s30+$0x0];
	v10 =	vadd.f32 v10, v2;
	[tilespmem:s28+$0x71] =	vst v6  }
0x15f: {  	v6 =	vld [tilespmem:s30+$0x40];
	v13 =	vadd.f32 v13, v3;
	[tilespmem:s28+$0xB2] =	vst v8  }
0x160: {  	v8 =	vadd.f32 v12, v3;
	v12 =	vld [tilespmem:s30+$0x80];
	[tilespmem:s28+$0xFFFFFF2C] =	vst v10;
	s28 =	sadd.s32 $0x208, s28  }
0x161: {  	v10 =	vld [tilespmem:s30+$0xFFFFFF00];
	v11 =	vadd.f32 v11, v3;
	[tilespmem:s28+$0xC3] =	vst v13  }
0x162: {  	[tilespmem:s28+$0xFFFFFF3D] =	vst v8;
	v7 =	vadd.f32 v7, v3;
	v8 =	vld [tilespmem:s30+$0xD0]  }
0x163: {  	v13 =	vld [tilespmem:s30+$0xFFFFFF50];
	[tilespmem:s28+$0xFFFFFF7E] =	vst v11;
	v9 =	vadd.f32 v9, v3  }
0x164: {  	v11 =	vld [tilespmem:s30+$0xFFFFFF90];
	[tilespmem:s28+$0xFFFFFFBF] =	vst v7;
	v6 =	vadd.f32 v6, v3  }
0x165: {  	v7 =	vld [tilespmem:s30+$0xFFFFFFD0];
	[tilespmem:s28+$0x0] =	vst v9;
	v9 =	vadd.f32 v12, v3  }
0x166: {  	v10 =	vadd.f32 v10, v3;
	v12 =	vld [tilespmem:s30+$0x10];
	[tilespmem:s28+$0x41] =	vst v6  }
0x167: {  	v6 =	vld [tilespmem:s30+$0x50];
	[tilespmem:s28+$0x82] =	vst v9;
	v8 =	vadd.f32 v8, v4  }
0x168: {  	[tilespmem:s28+$0xFFFFFEFC] =	vst v10;
	v9 =	vadd.f32 v13, v4;
	v10 =	vld [tilespmem:s30+$0x90]  }
0x169: {  	v13 =	vld [tilespmem:s30+$0xFFFFFF10];
	v11 =	vadd.f32 v11, v4;
	[tilespmem:s28+$0xD3] =	vst v8  }
0x16a: {  	[tilespmem:s28+$0xFFFFFF4D] =	vst v9;
	v7 =	vadd.f32 v7, v4;
	v8 =	vld [tilespmem:s30+$0xE0]  }
0x16b: {  	v9 =	vld [tilespmem:s30+$0xFFFFFF60];
	[tilespmem:s28+$0xFFFFFF8E] =	vst v11;
	v11 =	vadd.f32 v12, v4  }
0x16c: {  	v12 =	vld [tilespmem:s30+$0xFFFFFFA0];
	[tilespmem:s28+$0xFFFFFFCF] =	vst v7;
	v6 =	vadd.f32 v6, v4  }
0x16d: {  	v7 =	vld [tilespmem:s30+$0xFFFFFFE0];
	[tilespmem:s28+$0x10] =	vst v11;
	v10 =	vadd.f32 v10, v4  }
0x16e: {  	v11 =	vadd.f32 v13, v4;
	v13 =	vld [tilespmem:s30+$0x20];
	[tilespmem:s28+$0x51] =	vst v6  }
0x16f: {  	v6 =	vld [tilespmem:s30+$0x60];
	[tilespmem:s28+$0x92] =	vst v10;
	v8 =	vadd.f32 v8, v5  }
0x170: {  	[tilespmem:s28+$0xFFFFFF0C] =	vst v11;
	v9 =	vadd.f32 v9, v5;
	v10 =	vld [tilespmem:s30+$0xA0]  }
0x171: {  	v11 =	vld [tilespmem:s30+$0xFFFFFF20];
	v12 =	vadd.f32 v12, v5;
	[tilespmem:s28+$0xE3] =	vst v8  }
0x172: {  	[tilespmem:s28+$0xFFFFFF5D] =	vst v9;
	v7 =	vadd.f32 v7, v5;
	v9 =	vld [tilespmem:s30+$0xF0]  }
0x173: {  	v14 =	vld [tilespmem:s30+$0xFFFFFF70];
	[tilespmem:s28+$0xFFFFFF9E] =	vst v12;
	v8 =	vadd.f32 v13, v5  }
0x174: {  	v13 =	vld [tilespmem:s30+$0xFFFFFFB0];
	[tilespmem:s28+$0xFFFFFFDF] =	vst v7;
	v7 =	vadd.f32 v6, v5  }
.Ltmp8:
0x175: {  	v6 =	vld [tilespmem:s30+$0xFFFFFFF0];
	[tilespmem:s28+$0x20] =	vst v8;
	v10 =	vadd.f32 v10, v5;
	(pc) =	sbr.rel @p0 .LBB2_4-.Ltmp8, $4  }
0x176: {  	v11 =	vadd.f32 v11, v5;
	v8 =	vld [tilespmem:s30+$0x30];
	[tilespmem:s28+$0x61] =	vst v7  }
0x177: {  	v7 =	vld [tilespmem:s30+$0x70];
	[tilespmem:s28+$0xA2] =	vst v10;
	v15 =	vadd.f32 v9, v2  }
0x178: {  	[tilespmem:s28+$0xFFFFFF1C] =	vst v11;
	v12 =	vadd.f32 v14, v2;
	v9 =	vld [tilespmem:s30+$0xB0]  }
0x179: {  	v10 =	vld [tilespmem:s30+$0xFFFFFF30];
	v11 =	vadd.f32 v13, v2;
	[tilespmem:s28+$0xF3] =	vst v15;
	s30 =	sadd.s32 $0x200, s30  }
0x17a: {  	[tilespmem:s28+$0xFFFFFF6D] =	vst v12;
	v3 =	vadd.f32 v6, v2  }
0x17b: {  	[tilespmem:s28+$0xFFFFFFAE] =	vst v11;
	v4 =	vadd.f32 v8, v2  }
0x17c: {  	[tilespmem:s28+$0xFFFFFFEF] =	vst v3;
	v3 =	vadd.f32 v7, v2  }
0x17d: {  	[tilespmem:s28+$0x30] =	vst v4;
	v4 =	vadd.f32 v9, v2  }
0x17e: {  	v2 =	vadd.f32 v10, v2;
	[tilespmem:s28+$0x71] =	vst v3  }
0x17f: {  	p0 =	slt.u32 s6, $0x2;
	[tilespmem:s28+$0xB2] =	vst v4  }
0x180: {  	s0 =	simm.s32 @!p0 $0x3;
	[tilespmem:s28+$0xFFFFFF2C] =	vst v2  }
0x181: {  	_ =	swait.ge @!p0 [sflag:s0], $0x400  }
0x182: {  	[sflag:s0] =	ssyncset.done @!p0 $0x0  }
0x183: {  	[sflag:s0] =	ssyncadd.s32 @!p0 $0xFFFFFC00  }
0x184: {  	_ =	swait.ge @!p0 [sflag:s0], $0x400  }
0x185: {  	[sflag:s0] =	ssyncset.done @!p0 $0x0  }
0x186: {  	[sflag:s0] =	ssyncadd.s32 @!p0 $0xFFFFFC00  }
0x187: {  	_ =	swait.ge @!p0 [sflag:s0], $0x400  }
0x188: {  	[sflag:s0] =	ssyncset.done @!p0 $0x0  }
0x189: {  	[sflag:s0] =	ssyncadd.s32 @!p0 $0xFFFFFC00  }
0x18a: {  	_ =	swait.ge @!p0 [sflag:s0], $0x400  }
0x18b: {  	[sflag:s0] =	ssyncset.done @!p0 $0x0  }
0x18c: {  	[sflag:s0] =	ssyncadd.s32 @!p0 $0xFFFFFC00  }
0x18d: {  	_ =	swait.ge @!p0 [sflag:s0], $0x400  }
0x18e: {  	[sflag:s0] =	ssyncset.done @!p0 $0x0  }
0x18f: {  	[sflag:s0] =	ssyncadd.s32 @!p0 $0xFFFFFC00  }
0x190: {  	_ =	swait.ge @!p0 [sflag:s0], $0x400  }
0x191: {  	[sflag:s0] =	ssyncset.done @!p0 $0x0  }
0x192: {  	[sflag:s0] =	ssyncadd.s32 @!p0 $0xFFFFFC00  }
0x193: {  	_ =	swait.ge @!p0 [sflag:s0], $0x400  }
0x194: {  	[sflag:s0] =	ssyncset.done @!p0 $0x0  }
0x195: {  	[sflag:s0] =	ssyncadd.s32 @!p0 $0xFFFFFC00  }
0x196: {  	s3 =	smov.u32 s6;
	_ =	swait.ge @!p0 [sflag:s0], $0x400  }
0x197: {  	s1 =	simm.s32 $0x0;
	s28 =	simm.s32 $0x0;
	[sflag:s0] =	ssyncset.done @!p0 $0x0  }
0x198: {  	s1 =	smul.u32 $0x410, s1;
	[sflag:s0] =	ssyncadd.s32 @!p0 $0xFFFFFC00;
	s0 =	sand.u32 $0x30, s28  }
0x199: {  	s2 =	sor.u32 $0x1, s0;
	s5 =	sor.u32 $0x2, s0;
	s6 =	sor.u32 $0x8, s0  }
0x19a: {  	s7 =	sadd.s32 s0, s1;
	s8 =	sor.u32 $0x3, s0;
	s16 =	sor.u32 $0x4, s0  }
0x19b: {  	s17 =	sor.u32 $0x5, s0;
	s18 =	sor.u32 $0x6, s0;
	s20 =	sor.u32 $0xA, s0  }
0x19c: {  	s22 =	sor.u32 $0xB, s0;
	s15 =	sadd.s32 s6, s1;
	s25 =	sadd.s32 s2, s1  }
0x19d: {  	s23 =	sor.u32 $0xC, s0;
	s24 =	sor.u32 $0xD, s0;
	s14 =	sadd.s32 s5, s1;
	v2 =	vadd.s32 s15, v0;
	v4 =	vadd.s32 s25, v0  }
0x19e: {  	s30 =	sor.u32 $0xE, s0;
	s31 =	sor.u32 $0xF, s0;
	v3 =	vadd.s32 s7, v0;
	s7 =	sor.u32 $0x7, s0;
	v5 =	vadd.s32 s14, v0;
	v2 =	vand.u32 $0x7FFFFFF8, v2  }
0x19f: {  	s29 =	sadd.s32 s8, s1;
	s9 =	sadd.s32 s16, s1;
	s10 =	sadd.s32 s18, s1;
	v3 =	vand.u32 $0x7FFFFFF8, v3;
	v2 =	vor.u32 v1, v2  }
0x1a0: {  	s12 =	sadd.s32 s20, s1;
	s13 =	sadd.s32 s22, s1;
	s4 =	sadd.s32 s30, s1;
	v3 =	vor.u32 v1, v3  }
0x1a1: {  	s2 =	sshll.u32 s2, $0x7;
	s5 =	sshll.u32 s5, $0x7;
	s8 =	sshll.u32 s8, $0x7;
	v6 =	vadd.s32 s29, v0  }
0x1a2: {  	s15 =	sor.u32 $0x9, s0;
	s25 =	sadd.s32 s17, s1;
	s11 =	sadd.s32 s7, s1;
	v7 =	vadd.s32 s9, v0;
	v4 =	vld.idx.msk [tilespmem:v4+s19+$0x0], $0xffff  }
0x1a3: {  	s9 =	sadd.s32 s23, s1;
	s14 =	sadd.s32 s24, s1;
	s7 =	sshll.u32 s7, $0x7;
	v9 =	vadd.s32 s25, v0;
	v5 =	vld.idx.msk [tilespmem:v5+s19+$0x0], $0xffff  }
0x1a4: {  	v13 =	vadd.s32 s12, v0;
	s12 =	sshll.u32 s20, $0x7;
	s20 =	sshll.u32 s23, $0x7;
	s23 =	sshll.u32 s30, $0x7;
	v10 =	vadd.s32 s11, v0;
	v8 =	vld.idx.msk [tilespmem:v2+s19+$0x0], $0xffff  }
0x1a5: {  	s29 =	sadd.s32 s15, s1;
	s25 =	sadd.s32 s31, s1;
	s11 =	sshll.u32 s18, $0x7;
	v2 =	vld.idx.msk [tilespmem:v3+s19+$0x0], $0xffff;
	v3 =	vadd.s32 s10, v0  }
0x1a6: {  	v11 =	vadd.s32 s29, v0;
	v12 =	vld.idx.msk [tilespmem:v6+s19+$0x0], $0xffff;
	s10 =	sshll.u32 s16, $0x7;
	s16 =	sshll.u32 s17, $0x7;
	s17 =	sand.u32 $0x1C0, s28  }
0x1a7: {  	s18 =	sshll.u32 s6, $0x7;
	s6 =	sshll.u32 s15, $0x7;
	v14 =	vld.idx.msk [tilespmem:v7+s19+$0x0], $0xffff;
	s29 =	sshrl.u32 s17, $0x2  }
0x1a8: {  	v15 =	vadd.s32 s13, v0;
	v7 =	vld.idx.msk [tilespmem:v9+s19+$0x0], $0xffff;
	s1 =	sor.u32 s29, s18;
	s18 =	sshll.u32 s22, $0x7;
	s2 =	sor.u32 s29, s2  }
0x1a9: {  	v6 =	vadd.s32 s9, v0;
	v9 =	vld.idx.msk [tilespmem:v10+s19+$0x0], $0xffff;
	s22 =	sshll.u32 s24, $0x7;
	s30 =	sor.u32 s29, s5;
	s10 =	sor.u32 s29, s10;
	[tilespmem:s2+$0x11700] =	vst v4  }
0x1aa: {  	s17 =	sor.u32 s29, s16;
	s15 =	sor.u32 s29, s11;
	s7 =	sor.u32 s29, s7;
	[tilespmem:s1+$0x11700] =	vst v8;
	v8 =	vld.idx.msk [tilespmem:v3+s19+$0x0], $0xffff;
	v3 =	vadd.s32 s14, v0  }
0x1ab: {  	v10 =	vld.idx.msk [tilespmem:v11+s19+$0x0], $0xffff;
	s24 =	sor.u32 s29, s20;
	s5 =	sor.u32 s29, s23;
	[tilespmem:s30+$0x11700] =	vst v5;
	s2 =	sor.u32 s29, s12;
	v4 =	vadd.s32 s4, v0  }
0x1ac: {  	v11 =	vld.idx.msk [tilespmem:v13+s19+$0x0], $0xffff;
	v5 =	vadd.s32 s25, v0;
	[tilespmem:s10+$0x11700] =	vst v14;
	s1 =	sshll.u32 s0, $0x7;
	s0 =	sshll.u32 s31, $0x7;
	s31 =	sor.u32 s29, s8  }
0x1ad: {  	s16 =	sor.u32 s29, s18;
	s8 =	sor.u32 s29, s6;
	s6 =	sor.u32 s29, s22;
	[tilespmem:s31+$0x11700] =	vst v12;
	v12 =	vld.idx.msk [tilespmem:v15+s19+$0x0], $0xffff  }
.LBB2_6:
0x1ae: {  	s28 =	sadd.s32 $0x10, s28;
	s1 =	sor.u32 s29, s1;
	[tilespmem:s17+$0x11700] =	vst v7;
	v6 =	vld.idx.msk [tilespmem:v6+s19+$0x0], $0xffff;
	s4 =	sor.u32 s29, s0  }
0x1af: {  	s0 =	sshrl.u32 s28, $0x6;
	p0 =	slt.u32 s28, $0x1F0;
	[tilespmem:s1+$0x11700] =	vst v2;
	v2 =	vld.idx.msk [tilespmem:v3+s19+$0x0], $0xffff;
	s30 =	sand.u32 $0x30, s28  }
0x1b0: {  	s29 =	smul.u32 $0x410, s0;
	[tilespmem:s15+$0x11700] =	vst v8;
	v3 =	vld.idx.msk [tilespmem:v4+s19+$0x0], $0xffff;
	s31 =	sor.u32 $0x1, s30  }
0x1b1: {  	s1 =	sor.u32 $0x2, s30;
	s0 =	sor.u32 $0x8, s30;
	s25 =	sor.u32 $0x3, s30;
	[tilespmem:s7+$0x11700] =	vst v9;
	v4 =	vld.idx.msk [tilespmem:v5+s19+$0x0], $0xffff  }
0x1b2: {  	s17 =	sor.u32 $0x4, s30;
	s7 =	sadd.s32 s30, s29;
	s9 =	sadd.s32 s0, s29;
	[tilespmem:s8+$0x11700] =	vst v10  }
0x1b3: {  	s18 =	sor.u32 $0x6, s30;
	s15 =	sor.u32 $0xA, s30;
	v5 =	vadd.s32 s7, v0;
	s7 =	sor.u32 $0x5, s30;
	v7 =	vadd.s32 s9, v0;
	[tilespmem:s2+$0x11700] =	vst v11  }
0x1b4: {  	s20 =	sor.u32 $0xB, s30;
	s8 =	sor.u32 $0x7, s30;
	s2 =	sor.u32 $0x9, s30;
	v5 =	vand.u32 $0x7FFFFFF8, v5;
	v7 =	vand.u32 $0x7FFFFFF8, v7;
	[tilespmem:s16+$0x11700] =	vst v12  }
0x1b5: {  	s22 =	sor.u32 $0xC, s30;
	s23 =	sor.u32 $0xD, s30;
	s11 =	sshll.u32 s15, $0x7;
	v5 =	vor.u32 v1, v5;
	v7 =	vor.u32 v1, v7;
	[tilespmem:s24+$0x11700] =	vst v6  }
0x1b6: {  	s9 =	sadd.s32 s31, s29;
	s16 =	sor.u32 $0xF, s30;
	s24 =	sor.u32 $0xE, s30;
	[tilespmem:s6+$0x11700] =	vst v2  }
0x1b7: {  	s10 =	sadd.s32 s17, s29;
	v8 =	vadd.s32 s9, v0;
	s9 =	sadd.s32 s25, s29;
	s6 =	sadd.s32 s1, s29;
	[tilespmem:s5+$0x11700] =	vst v3  }
0x1b8: {  	v11 =	vadd.s32 s10, v0;
	v10 =	vadd.s32 s9, v0;
	s9 =	sadd.s32 s8, s29;
	v9 =	vadd.s32 s6, v0;
	s5 =	sadd.s32 s7, s29;
	s6 =	sadd.s32 s18, s29;
	[tilespmem:s4+$0x11700] =	vst v4  }
0x1b9: {  	v14 =	vadd.s32 s9, v0;
	v12 =	vadd.s32 s5, v0;
	v13 =	vadd.s32 s6, v0;
	s4 =	sadd.s32 s2, s29;
	s5 =	sadd.s32 s15, s29;
	s6 =	sadd.s32 s20, s29  }
0x1ba: {  	v16 =	vadd.s32 s4, v0;
	v17 =	vadd.s32 s5, v0;
	v18 =	vadd.s32 s6, v0;
	s4 =	sadd.s32 s22, s29;
	s5 =	sadd.s32 s23, s29;
	s6 =	sadd.s32 s24, s29;
	v15 =	vld.idx.msk [tilespmem:v7+s19+$0x0], $0xffff  }
0x1bb: {  	s10 =	sshll.u32 s1, $0x7;
	s9 =	sshll.u32 s31, $0x7;
	s1 =	sadd.s32 s16, s29;
	v6 =	vadd.s32 s4, v0;
	v3 =	vadd.s32 s5, v0;
	v4 =	vadd.s32 s6, v0;
	v2 =	vld.idx.msk [tilespmem:v5+s19+$0x0], $0xffff  }
0x1bc: {  	s4 =	sshll.u32 s25, $0x7;
	s5 =	sshll.u32 s17, $0x7;
	s6 =	sshll.u32 s7, $0x7;
	v5 =	vadd.s32 s1, v0;
	v19 =	vld.idx.msk [tilespmem:v8+s19+$0x0], $0xffff  }
0x1bd: {  	s8 =	sshll.u32 s8, $0x7;
	s7 =	sshll.u32 s18, $0x7;
	s1 =	sand.u32 $0x1C0, s28;
	v20 =	vld.idx.msk [tilespmem:v9+s19+$0x0], $0xffff  }
0x1be: {  	s0 =	sshll.u32 s0, $0x7;
	s2 =	sshll.u32 s2, $0x7;
	s29 =	sshrl.u32 s1, $0x2;
	v21 =	vld.idx.msk [tilespmem:v10+s19+$0x0], $0xffff  }
0x1bf: {  	s12 =	sshll.u32 s20, $0x7;
	s13 =	sshll.u32 s22, $0x7;
	s0 =	sor.u32 s29, s0;
	v22 =	vld.idx.msk [tilespmem:v11+s19+$0x0], $0xffff  }
0x1c0: {  	s14 =	sshll.u32 s23, $0x7;
	s18 =	sshll.u32 s24, $0x7;
	s1 =	sshll.u32 s30, $0x7;
	v7 =	vld.idx.msk [tilespmem:v12+s19+$0x0], $0xffff;
	[tilespmem:s0+$0x11700] =	vst v15  }
.Ltmp9:
0x1c1: {  	s9 =	sor.u32 s29, s9;
	s0 =	sshll.u32 s16, $0x7;
	v8 =	vld.idx.msk [tilespmem:v13+s19+$0x0], $0xffff;
	(pc) =	sbr.rel @p0 .LBB2_6-.Ltmp9, $4  }
0x1c2: {  	s4 =	sor.u32 s29, s4;
	s5 =	sor.u32 s29, s5;
	[tilespmem:s9+$0x11700] =	vst v19;
	s9 =	sor.u32 s29, s10;
	v9 =	vld.idx.msk [tilespmem:v14+s19+$0x0], $0xffff  }
0x1c3: {  	s17 =	sor.u32 s29, s6;
	s15 =	sor.u32 s29, s7;
	s7 =	sor.u32 s29, s8;
	[tilespmem:s9+$0x11700] =	vst v20;
	v10 =	vld.idx.msk [tilespmem:v16+s19+$0x0], $0xffff  }
0x1c4: {  	s8 =	sor.u32 s29, s2;
	s2 =	sor.u32 s29, s11;
	s16 =	sor.u32 s29, s12;
	[tilespmem:s4+$0x11700] =	vst v21;
	v11 =	vld.idx.msk [tilespmem:v17+s19+$0x0], $0xffff  }
0x1c5: {  	s24 =	sor.u32 s29, s13;
	s6 =	sor.u32 s29, s14;
	[tilespmem:s5+$0x11700] =	vst v22;
	v12 =	vld.idx.msk [tilespmem:v18+s19+$0x0], $0xffff;
	s5 =	sor.u32 s29, s18  }
.Ltmp10:
0x1c6: {  	_ = 	snop;
	(pc) =	sbr.rel .LBB2_7-.Ltmp10, $1  }
0x1c7: {  	_ =	sdelay $0x3  }
.LBB2_15:
0x1c8: {  	_ =	sfence.sel $0x180000  }
0x1c9: {  	[bflag:$0x0] =	sbarrier.arrive $0xFFFF  }
0x1ca: {  	_ =	strace $0x90000047  }
0x1cb: {  	s0 =	stileid.u32;
	[bflag:$0x2] =	sbarrier.arrive $0xFFFF  }
0x1cc: {  	p0 =	sne.s32 s0, $0x0;
	s0 =	rddreg [dreg:$0x2]  }
0x1cd: {  	s0 =	sadd.s32 @!p0 $0x100000, s0  }
0x1ce: {  	[sflag:s0] =	ssyncadd.tile.s32 @!p0 $0x1;
	_ =	shalt  }
.Lfunc_end2:
_tile_overlayer_lowered:
.L_overlay_start_2:
0x1cf: {  	(tag) =	ssettag $0x2  }
0x1d0: {  	s0 =	rddreg [dreg:$0x0];
	s2 =	stileid.u32  }
0x1d1: {  	s1 =	rddreg [dreg:$0x1];
	p0 =	sne.s32 s2, $0x0  }
0x1d2: {  	s3 =	rddreg [dreg:$0x2];
	[bflag:$0x3] =	sbarrier.arrive $0xFFFF;
	s2 =	simm.s32 @!p0 $0x1C05  }
0x1d3: {  	[timem:s3], [sflag:s2] =	dma.local @!p0 [hbm:s0], s1  }
0x1d4: {  	s0 =	simm.s32 @!p0 $0x5  }
0x1d5: {  	_ =	swait.ge @!p0 [sflag:s0], s1  }
0x1d6: {  	s1 =	ssub.s32 @!p0 $0x0, s1;
	[sflag:s0] =	ssyncset.done @!p0 $0x0  }
0x1d7: {  	[sflag:s0] =	ssyncadd.s32 @!p0 s1  }
0x1d8: {  	[bflag:$0x3] =	sbarrier.arrive $0xFFFF  }
0x1d9: {  	_ =	shalt  }

</sc_bundles>
